<compile_context>
chip_gen: v7x
topology: tpu7x:2x2x1
jax: 0.10.2.dev20260603
libtpu: 0.0.44.dev20260713+nightly
codegen_flags: <defaults>
</compile_context>

<pallas_src>
import functools

import jax
import jax.numpy as jnp
from jax import lax
from jax.experimental import pallas as pl
from jax.experimental.pallas import tpu as pltpu
from jax.experimental.pallas import tpu_sc as plsc

HIDDEN = 1024
N = 131072
S = 8192
B = 8192
PADW = 16

NC = 2
NS = 16
NW = NC * NS
ROWS_PER_TILE = N // NW
CHUNK = 128
N_CHUNKS = ROWS_PER_TILE // CHUNK
I_PER_TILE = B // NS
I_CHUNKS = I_PER_TILE // CHUNK


def _sc_segsum_gather(gent_hbm, idx_hbm, i_hbm, zero_hbm, out_hbm,
                      tgen0, tgen1, genv, idxv, iv, gout, accum, sem, ssem):
    c = lax.axis_index("c")
    s = lax.axis_index("s")
    w = c * NS + s
    QROWS = ROWS_PER_TILE // 4
    QCH = QROWS // CHUNK

    bufs = [tgen0, tgen1]
    def stage(q, buf):
        return pltpu.async_copy(
            gent_hbm.at[:, pl.ds(w * ROWS_PER_TILE + q * QROWS, QROWS)],
            buf, ssem)
    cp = stage(0, bufs[0])
    pltpu.sync_copy(idx_hbm.at[w], idxv)
    pltpu.sync_copy(i_hbm.at[s], iv)

    zrows = S // NS
    pltpu.sync_copy(zero_hbm.at[s], accum.at[pl.ds(s * zrows, zrows)])
    plsc.subcore_barrier()

    iota16 = lax.iota(jnp.int32, 16)
    ones16 = jnp.full((16,), 1.0, jnp.float32)
    for q in range(4):
        buf = bufs[q % 2]
        cp.wait()
        if q < 3:
            cp = stage(q + 1, bufs[(q + 1) % 2])
        def chunk_body(jl, carry, buf=buf, q=q):
            j = q * QCH + jl
            def grp_body(gg, carry2):
                rv = j * CHUNK + gg * 16 + iota16
                for f in range(12):
                    vals = buf[f, pl.ds(jl * CHUNK + gg * 16, 16)]
                    plsc.store_scatter(
                        genv, [rv, jnp.full((16,), f, jnp.int32)], vals)
                plsc.store_scatter(
                    genv, [rv, jnp.full((16,), 12, jnp.int32)], ones16)
                return carry2
            lax.fori_loop(0, CHUNK // 16, grp_body, 0)
            pltpu.async_copy(genv.at[pl.ds(j * CHUNK, CHUNK)],
                             accum.at[idxv.at[j]], sem, add=True)
            return carry
        lax.fori_loop(0, QCH, chunk_body, 0)

    def drain_body(j, carry):
        pltpu.make_async_copy(genv.at[pl.ds(j * CHUNK, CHUNK)],
                              accum.at[idxv.at[j]], sem).wait()
        return carry
    lax.fori_loop(0, N_CHUNKS, drain_body, 0)
    plsc.subcore_barrier()

    def gfire_body(j, carry):
        pltpu.async_copy(accum.at[iv.at[j]],
                         gout.at[pl.ds(j * CHUNK, CHUNK)], sem)
        return carry
    lax.fori_loop(0, I_CHUNKS, gfire_body, 0)
    def gdrain_body(j, carry):
        pltpu.make_async_copy(accum.at[iv.at[j]],
                              gout.at[pl.ds(j * CHUNK, CHUNK)], sem).wait()
        return carry
    lax.fori_loop(0, I_CHUNKS, gdrain_body, 0)
    pltpu.sync_copy(gout, out_hbm.at[c, pl.ds(s * I_PER_TILE, I_PER_TILE)])


def _sc_call(gent, idx3, i3, zeros):
    mesh = plsc.VectorSubcoreMesh(core_axis_name="c", subcore_axis_name="s")
    fn = functools.partial(
        pl.kernel,
        out_type=jax.ShapeDtypeStruct((NC, B, PADW), jnp.float32),
        mesh=mesh,
        scratch_types=[
            pltpu.VMEM((12, ROWS_PER_TILE // 4), jnp.float32),
            pltpu.VMEM((12, ROWS_PER_TILE // 4), jnp.float32),
            pltpu.VMEM((ROWS_PER_TILE, PADW), jnp.float32),
            pltpu.VMEM((N_CHUNKS, CHUNK), jnp.int32),
            pltpu.VMEM((I_CHUNKS, CHUNK), jnp.int32),
            pltpu.VMEM((I_PER_TILE, PADW), jnp.float32),
            pltpu.VMEM_SHARED((S, PADW), jnp.float32),
            pltpu.SemaphoreType.DMA,
            pltpu.SemaphoreType.DMA,
        ],
        compiler_params=pltpu.CompilerParams(use_tc_tiling_on_sc=False,
                                             needs_layout_passes=False),
    )(_sc_segsum_gather)
    return fn(gent, idx3, i3, zeros)


BLK = 1024


def _mlp_body(g2_ref, wemb_ref, w1_ref, b1_ref, w2_ref, b2_ref,
              gamma_ref, beta_ref):
    g = g2_ref[0] + g2_ref[1]
    cnt = g[:, 12:13]
    x = g / jnp.maximum(cnt, 1.0)
    lane = lax.broadcasted_iota(jnp.int32, (1, PADW), 1)
    x = jnp.where(lane < 13, x, 0.0)
    emb = jnp.dot(x, wemb_ref[...], preferred_element_type=jnp.float32)
    h = jnp.dot(emb, w1_ref[...], preferred_element_type=jnp.float32)
    h = h + b1_ref[...]
    h = jnp.where(h > 0, h, jnp.exp(jnp.minimum(h, 0.0)) - 1.0)
    gamma_ref[...] = jnp.dot(h, w2_ref[:, :HIDDEN],
                             preferred_element_type=jnp.float32) \
        + b2_ref[:, :HIDDEN]
    beta_ref[...] = jnp.dot(h, w2_ref[:, HIDDEN:],
                            preferred_element_type=jnp.float32) \
        + b2_ref[:, HIDDEN:]


def _mlp_call(g2, wemb16, w1, b1, w2, b2):
    nblk = B // BLK
    return pl.pallas_call(
        _mlp_body,
        grid=(nblk,),
        in_specs=[
            pl.BlockSpec((NC, BLK, PADW), lambda b: (0, b, 0)),
            pl.BlockSpec((PADW, HIDDEN), lambda b: (0, 0)),
            pl.BlockSpec((HIDDEN, HIDDEN), lambda b: (0, 0)),
            pl.BlockSpec((1, HIDDEN), lambda b: (0, 0)),
            pl.BlockSpec((HIDDEN, 2 * HIDDEN), lambda b: (0, 0)),
            pl.BlockSpec((1, 2 * HIDDEN), lambda b: (0, 0)),
        ],
        out_specs=[
            pl.BlockSpec((BLK, HIDDEN), lambda b: (b, 0)),
            pl.BlockSpec((BLK, HIDDEN), lambda b: (b, 0)),
        ],
        out_shape=[
            jax.ShapeDtypeStruct((B, HIDDEN), jnp.float32),
            jax.ShapeDtypeStruct((B, HIDDEN), jnp.float32),
        ],
    )(g2, wemb16, w1, b1, w2, b2)


def kernel(layer_idx, gen, gen_idx, i, W_emb, W1, b1, W2, b2):
    del layer_idx
    gen = gen.astype(jnp.float32)
    idx = gen_idx.astype(jnp.int32)
    ii = i.astype(jnp.int32)

    gent = gen.T
    idx3 = idx.reshape(NW, N_CHUNKS, CHUNK)
    i3 = ii.reshape(NS, I_CHUNKS, CHUNK)
    zeros = jnp.zeros((NS, S // NS, PADW), jnp.float32)

    g2 = _sc_call(gent, idx3, i3, zeros)

    wemb16 = jnp.pad(W_emb.astype(jnp.float32), ((0, PADW - 12), (0, 0)))
    gamma, beta = _mlp_call(g2, wemb16,
                            W1.astype(jnp.float32),
                            b1.astype(jnp.float32).reshape(1, HIDDEN),
                            W2.astype(jnp.float32),
                            b2.astype(jnp.float32).reshape(1, 2 * HIDDEN))
    return (gamma, beta)

# --- scband reference (transcript-rebuilt; emitter-appended) ---
"""Pipeline reference for scband-hyper-fi-lmgen-set-64424509440787 (READ-ONLY COPY).

The authoritative reference and input builder live on the scoring server;
editing this copy changes nothing except your own understanding.
"""

import jax, jax.numpy as jnp
import numpy as np

HIDDEN = 1024
LIN_OUT = 1024
N = 131072
S = 8192
B = 8192

def setup_inputs(seed: int = 0) -> dict:
    key = jax.random.key(seed)
    ks = jax.random.split(key, 8)
    gen = jax.random.normal(ks[0], (N, 12), dtype=jnp.float32)
    gen_idx = jnp.sort(jax.random.randint(ks[1], (N,), 0, S, dtype=jnp.int64))
    i = jax.random.randint(ks[2], (B,), 0, S, dtype=jnp.int64)
    W_emb = jax.random.normal(ks[3], (12, HIDDEN), dtype=jnp.float32) * (1.0 / np.sqrt(12.0))
    W1 = jax.random.normal(ks[4], (HIDDEN, HIDDEN), dtype=jnp.float32) * (1.0 / np.sqrt(HIDDEN))
    b1 = jnp.zeros((HIDDEN,), dtype=jnp.float32)
    W2 = jax.random.normal(ks[5], (HIDDEN, 2 * LIN_OUT), dtype=jnp.float32) * (1.0 / np.sqrt(HIDDEN))
    b2 = jnp.zeros((2 * LIN_OUT,), dtype=jnp.float32)
    return {"layer_idx": 0, "gen": gen, "gen_idx": gen_idx, "i": i,
            "W_emb": W_emb, "W1": W1, "b1": b1, "W2": W2, "b2": b2}

def reference(layer_idx, gen, gen_idx, i, W_emb, W1, b1, W2, b2):
    # gen_emb = self.emb(gen)  (Linear, bias=False)
    gen_emb = gen @ W_emb
    # gen_agg = scatter_mean(gen_emb, gen_idx, dim=0)
    sums = jax.ops.segment_sum(gen_emb, gen_idx, num_segments=S)
    cnt = jax.ops.segment_sum(jnp.ones((gen.shape[0],), dtype=gen.dtype), gen_idx, num_segments=S)
    gen_agg = sums / jnp.clip(cnt, 1.0, None)[:, None]
    # film = Sequential(Linear, ELU, Linear)
    h = jax.nn.elu(gen_agg @ W1 + b1)
    film = h @ W2 + b2
    # film = film[i]
    film = film[i]
    gamma, beta = jnp.split(film, 2, axis=-1)
    return (gamma, beta)

if __name__ == "__main__":
    import jax
    _d = setup_inputs()
    print(jax.jit(kernel)(*tuple(_d.values())))

</pallas_src>

<mosaic_0001>
#map = affine_map<(d0, d1) -> (0, 0)>
#map1 = affine_map<(d0, d1) -> (0, 0, 0)>
module attributes {stable_mosaic.version = 14 : i64} {
  func.func @_sc_segsum_gather(%arg0: i32, %arg1: i32, %arg2: memref<12x131072xf32, #tpu.memory_space<hbm>>, %arg3: memref<32x32x128xi32, #tpu.memory_space<hbm>>, %arg4: memref<16x4x128xi32, #tpu.memory_space<hbm>>, %arg5: memref<16x512x16xf32, #tpu.memory_space<hbm>>, %arg6: memref<2x8192x16xf32, #tpu.memory_space<hbm>>, %arg7: memref<12x1024xf32, #tpu.memory_space<vmem>>, %arg8: memref<12x1024xf32, #tpu.memory_space<vmem>>, %arg9: memref<4096x16xf32, #tpu.memory_space<vmem>>, %arg10: memref<32x128xi32, #tpu.memory_space<vmem>>, %arg11: memref<4x128xi32, #tpu.memory_space<vmem>>, %arg12: memref<512x16xf32, #tpu.memory_space<vmem>>, %arg13: memref<8192x16xf32, #tpu.memory_space<vmem_shared>>, %arg14: memref<!tpu.dma_semaphore, #tpu.memory_space<semaphore_mem>>, %arg15: memref<!tpu.dma_semaphore, #tpu.memory_space<semaphore_mem>>) attributes {dimension_semantics = [#tpu.dimension_semantics<core_parallel>, #tpu.dimension_semantics<subcore_parallel>], iteration_bounds = array<i64: 2, 16>, scalar_prefetch = 0 : i64, scratch_operands = 9 : i64, tpu.core_type = #tpu.core_type<sc_vector_subcore>, window_params = [{transform_indices = #map}, {transform_indices = #map1}, {transform_indices = #map1}, {transform_indices = #map1}, {transform_indices = #map1}]} {
    %mul3A = arith.constant 16 : i32
    %mul3A_0 = arith.muli %arg0, %mul3A : i32
    %add3A = arith.addi %mul3A_0, %arg1 : i32
    %mul3A_1 = arith.constant 4096 : i32
    %mul3A_2 = arith.muli %add3A, %mul3A_1 : i32
    %add3A_3 = arith.constant 0 : i32
    %add3A_4 = arith.addi %mul3A_2, %add3A_3 : i32
    %dma_start3A = arith.constant 0 : i32
    %dma_start3A_5 = tpu.memref_slice %arg2[%dma_start3A, %add3A_4] : memref<12x131072xf32, #tpu.memory_space<hbm>> -> memref<12x1024xf32, #tpu.memory_space<hbm>>
    %dma_start3A_6 = arith.constant 0 : i32
    %dma_start3A_7 = tpu.memref_slice %arg2[%dma_start3A_6, %add3A_4] : memref<12x131072xf32, #tpu.memory_space<hbm>> -> memref<12x1024xf32, #tpu.memory_space<hbm>>
    tpu.enqueue_dma source(%dma_start3A_7 : memref<12x1024xf32, #tpu.memory_space<hbm>>) target(%arg7 : memref<12x1024xf32, #tpu.memory_space<vmem>>) target_semaphore(%arg15 : memref<!tpu.dma_semaphore, #tpu.memory_space<semaphore_mem>>)
    "tpu.region"() ({
      %run_scoped3A = tpu.sem_alloc : memref<!tpu.dma_semaphore, #tpu.memory_space<semaphore_mem>>
      %dma_start3A_94 = arith.constant 0 : i32
      %dma_start3A_95 = arith.constant 0 : i32
      %dma_start3A_96 = tpu.memref_slice %arg3[%add3A, %dma_start3A_94, %dma_start3A_95] : memref<32x32x128xi32, #tpu.memory_space<hbm>> -> memref<1x32x128xi32, #tpu.memory_space<hbm>>
      %dma_start3A_97 = tpu.memref_squeeze %dma_start3A_96 : memref<1x32x128xi32, #tpu.memory_space<hbm>> -> memref<32x128xi32, #tpu.memory_space<hbm>>
      %dma_start3A_98 = arith.constant 0 : i32
      %dma_start3A_99 = arith.constant 0 : i32
      %dma_start3A_100 = tpu.memref_slice %arg3[%add3A, %dma_start3A_98, %dma_start3A_99] : memref<32x32x128xi32, #tpu.memory_space<hbm>> -> memref<1x32x128xi32, #tpu.memory_space<hbm>>
      %dma_start3A_101 = tpu.memref_squeeze %dma_start3A_100 : memref<1x32x128xi32, #tpu.memory_space<hbm>> -> memref<32x128xi32, #tpu.memory_space<hbm>>
      tpu.enqueue_dma source(%dma_start3A_101 : memref<32x128xi32, #tpu.memory_space<hbm>>) target(%arg10 : memref<32x128xi32, #tpu.memory_space<vmem>>) target_semaphore(%run_scoped3A : memref<!tpu.dma_semaphore, #tpu.memory_space<semaphore_mem>>)
      %dma_wait3A_102 = arith.constant 0 : i32
      %dma_wait3A_103 = arith.constant 0 : i32
      %dma_wait3A_104 = tpu.memref_slice %arg3[%add3A, %dma_wait3A_102, %dma_wait3A_103] : memref<32x32x128xi32, #tpu.memory_space<hbm>> -> memref<1x32x128xi32, #tpu.memory_space<hbm>>
      %dma_wait3A_105 = tpu.memref_squeeze %dma_wait3A_104 : memref<1x32x128xi32, #tpu.memory_space<hbm>> -> memref<32x128xi32, #tpu.memory_space<hbm>>
      %dma_wait3A_106 = arith.constant 0 : i32
      %dma_wait3A_107 = arith.constant 0 : i32
      %dma_wait3A_108 = tpu.memref_slice %arg3[%add3A, %dma_wait3A_106, %dma_wait3A_107] : memref<32x32x128xi32, #tpu.memory_space<hbm>> -> memref<1x32x128xi32, #tpu.memory_space<hbm>>
      %dma_wait3A_109 = tpu.memref_squeeze %dma_wait3A_108 : memref<1x32x128xi32, #tpu.memory_space<hbm>> -> memref<32x128xi32, #tpu.memory_space<hbm>>
      tpu.wait_dma2 semaphore(%run_scoped3A : memref<!tpu.dma_semaphore, #tpu.memory_space<semaphore_mem>>) src(%dma_wait3A_109 : memref<32x128xi32, #tpu.memory_space<hbm>>) dst(%arg10 : memref<32x128xi32, #tpu.memory_space<vmem>>)
      tpu.yield
    }) : () -> ()
    "tpu.region"() ({
      %run_scoped3A = tpu.sem_alloc : memref<!tpu.dma_semaphore, #tpu.memory_space<semaphore_mem>>
      %dma_start3A_94 = arith.constant 0 : i32
      %dma_start3A_95 = arith.constant 0 : i32
      %dma_start3A_96 = tpu.memref_slice %arg4[%arg1, %dma_start3A_94, %dma_start3A_95] : memref<16x4x128xi32, #tpu.memory_space<hbm>> -> memref<1x4x128xi32, #tpu.memory_space<hbm>>
      %dma_start3A_97 = tpu.memref_squeeze %dma_start3A_96 : memref<1x4x128xi32, #tpu.memory_space<hbm>> -> memref<4x128xi32, #tpu.memory_space<hbm>>
      %dma_start3A_98 = arith.constant 0 : i32
      %dma_start3A_99 = arith.constant 0 : i32
      %dma_start3A_100 = tpu.memref_slice %arg4[%arg1, %dma_start3A_98, %dma_start3A_99] : memref<16x4x128xi32, #tpu.memory_space<hbm>> -> memref<1x4x128xi32, #tpu.memory_space<hbm>>
      %dma_start3A_101 = tpu.memref_squeeze %dma_start3A_100 : memref<1x4x128xi32, #tpu.memory_space<hbm>> -> memref<4x128xi32, #tpu.memory_space<hbm>>
      tpu.enqueue_dma source(%dma_start3A_101 : memref<4x128xi32, #tpu.memory_space<hbm>>) target(%arg11 : memref<4x128xi32, #tpu.memory_space<vmem>>) target_semaphore(%run_scoped3A : memref<!tpu.dma_semaphore, #tpu.memory_space<semaphore_mem>>)
      %dma_wait3A_102 = arith.constant 0 : i32
      %dma_wait3A_103 = arith.constant 0 : i32
      %dma_wait3A_104 = tpu.memref_slice %arg4[%arg1, %dma_wait3A_102, %dma_wait3A_103] : memref<16x4x128xi32, #tpu.memory_space<hbm>> -> memref<1x4x128xi32, #tpu.memory_space<hbm>>
      %dma_wait3A_105 = tpu.memref_squeeze %dma_wait3A_104 : memref<1x4x128xi32, #tpu.memory_space<hbm>> -> memref<4x128xi32, #tpu.memory_space<hbm>>
      %dma_wait3A_106 = arith.constant 0 : i32
      %dma_wait3A_107 = arith.constant 0 : i32
      %dma_wait3A_108 = tpu.memref_slice %arg4[%arg1, %dma_wait3A_106, %dma_wait3A_107] : memref<16x4x128xi32, #tpu.memory_space<hbm>> -> memref<1x4x128xi32, #tpu.memory_space<hbm>>
      %dma_wait3A_109 = tpu.memref_squeeze %dma_wait3A_108 : memref<1x4x128xi32, #tpu.memory_space<hbm>> -> memref<4x128xi32, #tpu.memory_space<hbm>>
      tpu.wait_dma2 semaphore(%run_scoped3A : memref<!tpu.dma_semaphore, #tpu.memory_space<semaphore_mem>>) src(%dma_wait3A_109 : memref<4x128xi32, #tpu.memory_space<hbm>>) dst(%arg11 : memref<4x128xi32, #tpu.memory_space<vmem>>)
      tpu.yield
    }) : () -> ()
    %mul3A_8 = arith.constant 512 : i32
    %mul3A_9 = arith.muli %arg1, %mul3A_8 : i32
    "tpu.region"() ({
      %run_scoped3A = tpu.sem_alloc : memref<!tpu.dma_semaphore, #tpu.memory_space<semaphore_mem>>
      %dma_start3A_94 = arith.constant 0 : i32
      %dma_start3A_95 = tpu.memref_slice %arg13[%mul3A_9, %dma_start3A_94] : memref<8192x16xf32, #tpu.memory_space<vmem_shared>> -> memref<512x16xf32, #tpu.memory_space<vmem_shared>>
      %dma_start3A_96 = arith.constant 0 : i32
      %dma_start3A_97 = arith.constant 0 : i32
      %dma_start3A_98 = tpu.memref_slice %arg5[%arg1, %dma_start3A_96, %dma_start3A_97] : memref<16x512x16xf32, #tpu.memory_space<hbm>> -> memref<1x512x16xf32, #tpu.memory_space<hbm>>
      %dma_start3A_99 = tpu.memref_squeeze %dma_start3A_98 : memref<1x512x16xf32, #tpu.memory_space<hbm>> -> memref<512x16xf32, #tpu.memory_space<hbm>>
      tpu.enqueue_dma source(%dma_start3A_99 : memref<512x16xf32, #tpu.memory_space<hbm>>) target(%dma_start3A_95 : memref<512x16xf32, #tpu.memory_space<vmem_shared>>) target_semaphore(%run_scoped3A : memref<!tpu.dma_semaphore, #tpu.memory_space<semaphore_mem>>)
      %dma_wait3A_100 = arith.constant 0 : i32
      %dma_wait3A_101 = tpu.memref_slice %arg13[%mul3A_9, %dma_wait3A_100] : memref<8192x16xf32, #tpu.memory_space<vmem_shared>> -> memref<512x16xf32, #tpu.memory_space<vmem_shared>>
      %dma_wait3A_102 = arith.constant 0 : i32
      %dma_wait3A_103 = arith.constant 0 : i32
      %dma_wait3A_104 = tpu.memref_slice %arg5[%arg1, %dma_wait3A_102, %dma_wait3A_103] : memref<16x512x16xf32, #tpu.memory_space<hbm>> -> memref<1x512x16xf32, #tpu.memory_space<hbm>>
      %dma_wait3A_105 = tpu.memref_squeeze %dma_wait3A_104 : memref<1x512x16xf32, #tpu.memory_space<hbm>> -> memref<512x16xf32, #tpu.memory_space<hbm>>
      tpu.wait_dma2 semaphore(%run_scoped3A : memref<!tpu.dma_semaphore, #tpu.memory_space<semaphore_mem>>) src(%dma_wait3A_105 : memref<512x16xf32, #tpu.memory_space<hbm>>) dst(%dma_wait3A_101 : memref<512x16xf32, #tpu.memory_space<vmem_shared>>)
      tpu.yield
    }) : () -> ()
    %barrier3A = arith.constant 0 : index
    tpu.barrier barrier_id(%barrier3A)
    %iota3A = tpu.iota {dimensions = array<i32: 0>} : vector<16xi32>
    %broadcast_in_dim3A = arith.constant 1.000000e+00 : f32
    %broadcast_in_dim3A_10 = vector.broadcast %broadcast_in_dim3A : f32 to vector<16xf32>
    %dma_wait3A = arith.constant 0 : i32
    %dma_wait3A_11 = tpu.memref_slice %arg2[%dma_wait3A, %add3A_4] : memref<12x131072xf32, #tpu.memory_space<hbm>> -> memref<12x1024xf32, #tpu.memory_space<hbm>>
    %dma_wait3A_12 = arith.constant 0 : i32
    %dma_wait3A_13 = tpu.memref_slice %arg2[%dma_wait3A_12, %add3A_4] : memref<12x131072xf32, #tpu.memory_space<hbm>> -> memref<12x1024xf32, #tpu.memory_space<hbm>>
    tpu.wait_dma2 semaphore(%arg15 : memref<!tpu.dma_semaphore, #tpu.memory_space<semaphore_mem>>) src(%dma_wait3A_13 : memref<12x1024xf32, #tpu.memory_space<hbm>>) dst(%arg7 : memref<12x1024xf32, #tpu.memory_space<vmem>>)
    %mul3A_14 = arith.constant 4096 : i32
    %mul3A_15 = arith.muli %add3A, %mul3A_14 : i32
    %add3A_16 = arith.constant 1024 : i32
    %add3A_17 = arith.addi %mul3A_15, %add3A_16 : i32
    %dma_start3A_18 = arith.constant 0 : i32
    %dma_start3A_19 = tpu.memref_slice %arg2[%dma_start3A_18, %add3A_17] : memref<12x131072xf32, #tpu.memory_space<hbm>> -> memref<12x1024xf32, #tpu.memory_space<hbm>>
    %dma_start3A_20 = arith.constant 0 : i32
    %dma_start3A_21 = tpu.memref_slice %arg2[%dma_start3A_20, %add3A_17] : memref<12x131072xf32, #tpu.memory_space<hbm>> -> memref<12x1024xf32, #tpu.memory_space<hbm>>
    tpu.enqueue_dma source(%dma_start3A_21 : memref<12x1024xf32, #tpu.memory_space<hbm>>) target(%arg8 : memref<12x1024xf32, #tpu.memory_space<vmem>>) target_semaphore(%arg15 : memref<!tpu.dma_semaphore, #tpu.memory_space<semaphore_mem>>)
    %scan3A = arith.constant 0 : i32
    %scan3A_22 = arith.constant 0 : i32
    %scan3A_23 = arith.constant 8 : i32
    %scan3A_24 = arith.addi %scan3A_22, %scan3A_23 : i32
    %scan3A_25 = arith.constant 1 : i32
    scf.for %scan3A_94 = %scan3A_22 to %scan3A_24 step %scan3A_25  : i32 {
      %add3A_95 = arith.constant 0 : i32
      %add3A_96 = arith.addi %add3A_95, %scan3A_94 : i32
      %scan3A_97 = arith.constant 0 : i32
      %scan3A_98 = arith.constant 0 : i32
      %scan3A_99 = arith.constant 8 : i32
      %scan3A_100 = arith.addi %scan3A_98, %scan3A_99 : i32
      %scan3A_101 = arith.constant 1 : i32
      scf.for %scan3A_113 = %scan3A_98 to %scan3A_100 step %scan3A_101  : i32 {
        %mul3A_114 = arith.constant 128 : i32
        %mul3A_115 = arith.muli %add3A_96, %mul3A_114 : i32
        %mul3A_116 = arith.constant 16 : i32
        %mul3A_117 = arith.muli %scan3A_113, %mul3A_116 : i32
        %add3A_118 = arith.addi %mul3A_115, %mul3A_117 : i32
        %add3A_119 = vector.broadcast %add3A_118 : i32 to vector<16xi32>
        %add3A_120 = arith.addi %add3A_119, %iota3A : vector<16xi32>
        %mul3A_121 = arith.constant 128 : i32
        %mul3A_122 = arith.muli %scan3A_94, %mul3A_121 : i32
        %mul3A_123 = arith.constant 16 : i32
        %mul3A_124 = arith.muli %scan3A_113, %mul3A_123 : i32
        %add3A_125 = arith.addi %mul3A_122, %mul3A_124 : i32
        %get3A = arith.constant 0 : i32
        %get3A_126 = arith.index_cast %get3A : i32 to index
        %get3A_127 = arith.index_cast %add3A_125 : i32 to index
        %get3A_128 = tpu.vector_load %arg7[%get3A_126, %get3A_127] {strides = array<i32>} : memref<12x1024xf32, #tpu.memory_space<vmem>>, vector<16xf32>,
        %broadcast_in_dim3A_129 = arith.constant 0 : i32
        %broadcast_in_dim3A_130 = vector.broadcast %broadcast_in_dim3A_129 : i32 to vector<16xi32>
        tpu.vector_store_idx %arg9[%add3A_120, %broadcast_in_dim3A_130], %get3A_128 : memref<4096x16xf32, #tpu.memory_space<vmem>>[vector<16xi32>, vector<16xi32>], vector<16xf32>,
        %mul3A_131 = arith.constant 128 : i32
        %mul3A_132 = arith.muli %scan3A_94, %mul3A_131 : i32
        %mul3A_133 = arith.constant 16 : i32
        %mul3A_134 = arith.muli %scan3A_113, %mul3A_133 : i32
        %add3A_135 = arith.addi %mul3A_132, %mul3A_134 : i32
        %get3A_136 = arith.constant 1 : i32
        %get3A_137 = arith.index_cast %get3A_136 : i32 to index
        %get3A_138 = arith.index_cast %add3A_135 : i32 to index
        %get3A_139 = tpu.vector_load %arg7[%get3A_137, %get3A_138] {strides = array<i32>} : memref<12x1024xf32, #tpu.memory_space<vmem>>, vector<16xf32>,
        %broadcast_in_dim3A_140 = arith.constant 1 : i32
        %broadcast_in_dim3A_141 = vector.broadcast %broadcast_in_dim3A_140 : i32 to vector<16xi32>
        tpu.vector_store_idx %arg9[%add3A_120, %broadcast_in_dim3A_141], %get3A_139 : memref<4096x16xf32, #tpu.memory_space<vmem>>[vector<16xi32>, vector<16xi32>], vector<16xf32>,
        %mul3A_142 = arith.constant 128 : i32
        %mul3A_143 = arith.muli %scan3A_94, %mul3A_142 : i32
        %mul3A_144 = arith.constant 16 : i32
        %mul3A_145 = arith.muli %scan3A_113, %mul3A_144 : i32
        %add3A_146 = arith.addi %mul3A_143, %mul3A_145 : i32
        %get3A_147 = arith.constant 2 : i32
        %get3A_148 = arith.index_cast %get3A_147 : i32 to index
        %get3A_149 = arith.index_cast %add3A_146 : i32 to index
        %get3A_150 = tpu.vector_load %arg7[%get3A_148, %get3A_149] {strides = array<i32>} : memref<12x1024xf32, #tpu.memory_space<vmem>>, vector<16xf32>,
        %broadcast_in_dim3A_151 = arith.constant 2 : i32
        %broadcast_in_dim3A_152 = vector.broadcast %broadcast_in_dim3A_151 : i32 to vector<16xi32>
        tpu.vector_store_idx %arg9[%add3A_120, %broadcast_in_dim3A_152], %get3A_150 : memref<4096x16xf32, #tpu.memory_space<vmem>>[vector<16xi32>, vector<16xi32>], vector<16xf32>,
        %mul3A_153 = arith.constant 128 : i32
        %mul3A_154 = arith.muli %scan3A_94, %mul3A_153 : i32
        %mul3A_155 = arith.constant 16 : i32
        %mul3A_156 = arith.muli %scan3A_113, %mul3A_155 : i32
        %add3A_157 = arith.addi %mul3A_154, %mul3A_156 : i32
        %get3A_158 = arith.constant 3 : i32
        %get3A_159 = arith.index_cast %get3A_158 : i32 to index
        %get3A_160 = arith.index_cast %add3A_157 : i32 to index
        %get3A_161 = tpu.vector_load %arg7[%get3A_159, %get3A_160] {strides = array<i32>} : memref<12x1024xf32, #tpu.memory_space<vmem>>, vector<16xf32>,
        %broadcast_in_dim3A_162 = arith.constant 3 : i32
        %broadcast_in_dim3A_163 = vector.broadcast %broadcast_in_dim3A_162 : i32 to vector<16xi32>
        tpu.vector_store_idx %arg9[%add3A_120, %broadcast_in_dim3A_163], %get3A_161 : memref<4096x16xf32, #tpu.memory_space<vmem>>[vector<16xi32>, vector<16xi32>], vector<16xf32>,
        %mul3A_164 = arith.constant 128 : i32
        %mul3A_165 = arith.muli %scan3A_94, %mul3A_164 : i32
        %mul3A_166 = arith.constant 16 : i32
        %mul3A_167 = arith.muli %scan3A_113, %mul3A_166 : i32
        %add3A_168 = arith.addi %mul3A_165, %mul3A_167 : i32
        %get3A_169 = arith.constant 4 : i32
        %get3A_170 = arith.index_cast %get3A_169 : i32 to index
        %get3A_171 = arith.index_cast %add3A_168 : i32 to index
        %get3A_172 = tpu.vector_load %arg7[%get3A_170, %get3A_171] {strides = array<i32>} : memref<12x1024xf32, #tpu.memory_space<vmem>>, vector<16xf32>,
        %broadcast_in_dim3A_173 = arith.constant 4 : i32
        %broadcast_in_dim3A_174 = vector.broadcast %broadcast_in_dim3A_173 : i32 to vector<16xi32>
        tpu.vector_store_idx %arg9[%add3A_120, %broadcast_in_dim3A_174], %get3A_172 : memref<4096x16xf32, #tpu.memory_space<vmem>>[vector<16xi32>, vector<16xi32>], vector<16xf32>,
        %mul3A_175 = arith.constant 128 : i32
        %mul3A_176 = arith.muli %scan3A_94, %mul3A_175 : i32
        %mul3A_177 = arith.constant 16 : i32
        %mul3A_178 = arith.muli %scan3A_113, %mul3A_177 : i32
        %add3A_179 = arith.addi %mul3A_176, %mul3A_178 : i32
        %get3A_180 = arith.constant 5 : i32
        %get3A_181 = arith.index_cast %get3A_180 : i32 to index
        %get3A_182 = arith.index_cast %add3A_179 : i32 to index
        %get3A_183 = tpu.vector_load %arg7[%get3A_181, %get3A_182] {strides = array<i32>} : memref<12x1024xf32, #tpu.memory_space<vmem>>, vector<16xf32>,
        %broadcast_in_dim3A_184 = arith.constant 5 : i32
        %broadcast_in_dim3A_185 = vector.broadcast %broadcast_in_dim3A_184 : i32 to vector<16xi32>
        tpu.vector_store_idx %arg9[%add3A_120, %broadcast_in_dim3A_185], %get3A_183 : memref<4096x16xf32, #tpu.memory_space<vmem>>[vector<16xi32>, vector<16xi32>], vector<16xf32>,
        %mul3A_186 = arith.constant 128 : i32
        %mul3A_187 = arith.muli %scan3A_94, %mul3A_186 : i32
        %mul3A_188 = arith.constant 16 : i32
        %mul3A_189 = arith.muli %scan3A_113, %mul3A_188 : i32
        %add3A_190 = arith.addi %mul3A_187, %mul3A_189 : i32
        %get3A_191 = arith.constant 6 : i32
        %get3A_192 = arith.index_cast %get3A_191 : i32 to index
        %get3A_193 = arith.index_cast %add3A_190 : i32 to index
        %get3A_194 = tpu.vector_load %arg7[%get3A_192, %get3A_193] {strides = array<i32>} : memref<12x1024xf32, #tpu.memory_space<vmem>>, vector<16xf32>,
        %broadcast_in_dim3A_195 = arith.constant 6 : i32
        %broadcast_in_dim3A_196 = vector.broadcast %broadcast_in_dim3A_195 : i32 to vector<16xi32>
        tpu.vector_store_idx %arg9[%add3A_120, %broadcast_in_dim3A_196], %get3A_194 : memref<4096x16xf32, #tpu.memory_space<vmem>>[vector<16xi32>, vector<16xi32>], vector<16xf32>,
        %mul3A_197 = arith.constant 128 : i32
        %mul3A_198 = arith.muli %scan3A_94, %mul3A_197 : i32
        %mul3A_199 = arith.constant 16 : i32
        %mul3A_200 = arith.muli %scan3A_113, %mul3A_199 : i32
        %add3A_201 = arith.addi %mul3A_198, %mul3A_200 : i32
        %get3A_202 = arith.constant 7 : i32
        %get3A_203 = arith.index_cast %get3A_202 : i32 to index
        %get3A_204 = arith.index_cast %add3A_201 : i32 to index
        %get3A_205 = tpu.vector_load %arg7[%get3A_203, %get3A_204] {strides = array<i32>} : memref<12x1024xf32, #tpu.memory_space<vmem>>, vector<16xf32>,
        %broadcast_in_dim3A_206 = arith.constant 7 : i32
        %broadcast_in_dim3A_207 = vector.broadcast %broadcast_in_dim3A_206 : i32 to vector<16xi32>
        tpu.vector_store_idx %arg9[%add3A_120, %broadcast_in_dim3A_207], %get3A_205 : memref<4096x16xf32, #tpu.memory_space<vmem>>[vector<16xi32>, vector<16xi32>], vector<16xf32>,
        %mul3A_208 = arith.constant 128 : i32
        %mul3A_209 = arith.muli %scan3A_94, %mul3A_208 : i32
        %mul3A_210 = arith.constant 16 : i32
        %mul3A_211 = arith.muli %scan3A_113, %mul3A_210 : i32
        %add3A_212 = arith.addi %mul3A_209, %mul3A_211 : i32
        %get3A_213 = arith.constant 8 : i32
        %get3A_214 = arith.index_cast %get3A_213 : i32 to index
        %get3A_215 = arith.index_cast %add3A_212 : i32 to index
        %get3A_216 = tpu.vector_load %arg7[%get3A_214, %get3A_215] {strides = array<i32>} : memref<12x1024xf32, #tpu.memory_space<vmem>>, vector<16xf32>,
        %broadcast_in_dim3A_217 = arith.constant 8 : i32
        %broadcast_in_dim3A_218 = vector.broadcast %broadcast_in_dim3A_217 : i32 to vector<16xi32>
        tpu.vector_store_idx %arg9[%add3A_120, %broadcast_in_dim3A_218], %get3A_216 : memref<4096x16xf32, #tpu.memory_space<vmem>>[vector<16xi32>, vector<16xi32>], vector<16xf32>,
        %mul3A_219 = arith.constant 128 : i32
        %mul3A_220 = arith.muli %scan3A_94, %mul3A_219 : i32
        %mul3A_221 = arith.constant 16 : i32
        %mul3A_222 = arith.muli %scan3A_113, %mul3A_221 : i32
        %add3A_223 = arith.addi %mul3A_220, %mul3A_222 : i32
        %get3A_224 = arith.constant 9 : i32
        %get3A_225 = arith.index_cast %get3A_224 : i32 to index
        %get3A_226 = arith.index_cast %add3A_223 : i32 to index
        %get3A_227 = tpu.vector_load %arg7[%get3A_225, %get3A_226] {strides = array<i32>} : memref<12x1024xf32, #tpu.memory_space<vmem>>, vector<16xf32>,
        %broadcast_in_dim3A_228 = arith.constant 9 : i32
        %broadcast_in_dim3A_229 = vector.broadcast %broadcast_in_dim3A_228 : i32 to vector<16xi32>
        tpu.vector_store_idx %arg9[%add3A_120, %broadcast_in_dim3A_229], %get3A_227 : memref<4096x16xf32, #tpu.memory_space<vmem>>[vector<16xi32>, vector<16xi32>], vector<16xf32>,
        %mul3A_230 = arith.constant 128 : i32
        %mul3A_231 = arith.muli %scan3A_94, %mul3A_230 : i32
        %mul3A_232 = arith.constant 16 : i32
        %mul3A_233 = arith.muli %scan3A_113, %mul3A_232 : i32
        %add3A_234 = arith.addi %mul3A_231, %mul3A_233 : i32
        %get3A_235 = arith.constant 10 : i32
        %get3A_236 = arith.index_cast %get3A_235 : i32 to index
        %get3A_237 = arith.index_cast %add3A_234 : i32 to index
        %get3A_238 = tpu.vector_load %arg7[%get3A_236, %get3A_237] {strides = array<i32>} : memref<12x1024xf32, #tpu.memory_space<vmem>>, vector<16xf32>,
        %broadcast_in_dim3A_239 = arith.constant 10 : i32
        %broadcast_in_dim3A_240 = vector.broadcast %broadcast_in_dim3A_239 : i32 to vector<16xi32>
        tpu.vector_store_idx %arg9[%add3A_120, %broadcast_in_dim3A_240], %get3A_238 : memref<4096x16xf32, #tpu.memory_space<vmem>>[vector<16xi32>, vector<16xi32>], vector<16xf32>,
        %mul3A_241 = arith.constant 128 : i32
        %mul3A_242 = arith.muli %scan3A_94, %mul3A_241 : i32
        %mul3A_243 = arith.constant 16 : i32
        %mul3A_244 = arith.muli %scan3A_113, %mul3A_243 : i32
        %add3A_245 = arith.addi %mul3A_242, %mul3A_244 : i32
        %get3A_246 = arith.constant 11 : i32
        %get3A_247 = arith.index_cast %get3A_246 : i32 to index
        %get3A_248 = arith.index_cast %add3A_245 : i32 to index
        %get3A_249 = tpu.vector_load %arg7[%get3A_247, %get3A_248] {strides = array<i32>} : memref<12x1024xf32, #tpu.memory_space<vmem>>, vector<16xf32>,
        %broadcast_in_dim3A_250 = arith.constant 11 : i32
        %broadcast_in_dim3A_251 = vector.broadcast %broadcast_in_dim3A_250 : i32 to vector<16xi32>
        tpu.vector_store_idx %arg9[%add3A_120, %broadcast_in_dim3A_251], %get3A_249 : memref<4096x16xf32, #tpu.memory_space<vmem>>[vector<16xi32>, vector<16xi32>], vector<16xf32>,
        %broadcast_in_dim3A_252 = arith.constant 12 : i32
        %broadcast_in_dim3A_253 = vector.broadcast %broadcast_in_dim3A_252 : i32 to vector<16xi32>
        tpu.vector_store_idx %arg9[%add3A_120, %broadcast_in_dim3A_253], %broadcast_in_dim3A_10 : memref<4096x16xf32, #tpu.memory_space<vmem>>[vector<16xi32>, vector<16xi32>], vector<16xf32>,
      }
      %scan3A_102 = arith.constant 8 : i32
      %mul3A_103 = arith.constant 128 : i32
      %mul3A_104 = arith.muli %add3A_96, %mul3A_103 : i32
      %dma_start3A_105 = arith.constant 0 : i32
      %dma_start3A_106 = tpu.memref_slice %arg9[%mul3A_104, %dma_start3A_105] : memref<4096x16xf32, #tpu.memory_space<vmem>> -> memref<128x16xf32, #tpu.memory_space<vmem>>
      %dma_start3A_107 = arith.constant 0 : i32
      %dma_start3A_108 = tpu.memref_slice %arg10[%add3A_96, %dma_start3A_107] : memref<32x128xi32, #tpu.memory_space<vmem>> -> memref<1x128xi32, #tpu.memory_space<vmem>>
      %dma_start3A_109 = tpu.memref_squeeze %dma_start3A_108 : memref<1x128xi32, #tpu.memory_space<vmem>> -> memref<128xi32, #tpu.memory_space<vmem>>
      %dma_start3A_110 = arith.constant 0 : i32
      %dma_start3A_111 = arith.constant 0 : i32
      %dma_start3A_112 = tpu.memref_slice %arg13[%dma_start3A_110, %dma_start3A_111] : memref<8192x16xf32, #tpu.memory_space<vmem_shared>> -> memref<8192x16xf32, #tpu.memory_space<vmem_shared>>
      tpu.enqueue_indirect_dma source(%dma_start3A_106 : memref<128x16xf32, #tpu.memory_space<vmem>>) target(%dma_start3A_112 : memref<8192x16xf32, #tpu.memory_space<vmem_shared>>) offsets(%dma_start3A_109 : memref<128xi32, #tpu.memory_space<vmem>>) semaphore(%arg14 : memref<!tpu.dma_semaphore, #tpu.memory_space<semaphore_mem>>) {add = true}
    }
    %scan3A_26 = arith.constant 8 : i32
    %dma_wait3A_27 = arith.constant 0 : i32
    %dma_wait3A_28 = tpu.memref_slice %arg2[%dma_wait3A_27, %add3A_17] : memref<12x131072xf32, #tpu.memory_space<hbm>> -> memref<12x1024xf32, #tpu.memory_space<hbm>>
    %dma_wait3A_29 = arith.constant 0 : i32
    %dma_wait3A_30 = tpu.memref_slice %arg2[%dma_wait3A_29, %add3A_17] : memref<12x131072xf32, #tpu.memory_space<hbm>> -> memref<12x1024xf32, #tpu.memory_space<hbm>>
    tpu.wait_dma2 semaphore(%arg15 : memref<!tpu.dma_semaphore, #tpu.memory_space<semaphore_mem>>) src(%dma_wait3A_30 : memref<12x1024xf32, #tpu.memory_space<hbm>>) dst(%arg8 : memref<12x1024xf32, #tpu.memory_space<vmem>>)
    %mul3A_31 = arith.constant 4096 : i32
    %mul3A_32 = arith.muli %add3A, %mul3A_31 : i32
    %add3A_33 = arith.constant 2048 : i32
    %add3A_34 = arith.addi %mul3A_32, %add3A_33 : i32
    %dma_start3A_35 = arith.constant 0 : i32
    %dma_start3A_36 = tpu.memref_slice %arg2[%dma_start3A_35, %add3A_34] : memref<12x131072xf32, #tpu.memory_space<hbm>> -> memref<12x1024xf32, #tpu.memory_space<hbm>>
    %dma_start3A_37 = arith.constant 0 : i32
    %dma_start3A_38 = tpu.memref_slice %arg2[%dma_start3A_37, %add3A_34] : memref<12x131072xf32, #tpu.memory_space<hbm>> -> memref<12x1024xf32, #tpu.memory_space<hbm>>
    tpu.enqueue_dma source(%dma_start3A_38 : memref<12x1024xf32, #tpu.memory_space<hbm>>) target(%arg7 : memref<12x1024xf32, #tpu.memory_space<vmem>>) target_semaphore(%arg15 : memref<!tpu.dma_semaphore, #tpu.memory_space<semaphore_mem>>)
    %scan3A_39 = arith.constant 0 : i32
    %scan3A_40 = arith.constant 0 : i32
    %scan3A_41 = arith.constant 8 : i32
    %scan3A_42 = arith.addi %scan3A_40, %scan3A_41 : i32
    %scan3A_43 = arith.constant 1 : i32
    scf.for %scan3A_94 = %scan3A_40 to %scan3A_42 step %scan3A_43  : i32 {
      %add3A_95 = arith.constant 8 : i32
      %add3A_96 = arith.addi %add3A_95, %scan3A_94 : i32
      %scan3A_97 = arith.constant 0 : i32
      %scan3A_98 = arith.constant 0 : i32
      %scan3A_99 = arith.constant 8 : i32
      %scan3A_100 = arith.addi %scan3A_98, %scan3A_99 : i32
      %scan3A_101 = arith.constant 1 : i32
      scf.for %scan3A_113 = %scan3A_98 to %scan3A_100 step %scan3A_101  : i32 {
        %mul3A_114 = arith.constant 128 : i32
        %mul3A_115 = arith.muli %add3A_96, %mul3A_114 : i32
        %mul3A_116 = arith.constant 16 : i32
        %mul3A_117 = arith.muli %scan3A_113, %mul3A_116 : i32
        %add3A_118 = arith.addi %mul3A_115, %mul3A_117 : i32
        %add3A_119 = vector.broadcast %add3A_118 : i32 to vector<16xi32>
        %add3A_120 = arith.addi %add3A_119, %iota3A : vector<16xi32>
        %mul3A_121 = arith.constant 128 : i32
        %mul3A_122 = arith.muli %scan3A_94, %mul3A_121 : i32
        %mul3A_123 = arith.constant 16 : i32
        %mul3A_124 = arith.muli %scan3A_113, %mul3A_123 : i32
        %add3A_125 = arith.addi %mul3A_122, %mul3A_124 : i32
        %get3A = arith.constant 0 : i32
        %get3A_126 = arith.index_cast %get3A : i32 to index
        %get3A_127 = arith.index_cast %add3A_125 : i32 to index
        %get3A_128 = tpu.vector_load %arg8[%get3A_126, %get3A_127] {strides = array<i32>} : memref<12x1024xf32, #tpu.memory_space<vmem>>, vector<16xf32>,
        %broadcast_in_dim3A_129 = arith.constant 0 : i32
        %broadcast_in_dim3A_130 = vector.broadcast %broadcast_in_dim3A_129 : i32 to vector<16xi32>
        tpu.vector_store_idx %arg9[%add3A_120, %broadcast_in_dim3A_130], %get3A_128 : memref<4096x16xf32, #tpu.memory_space<vmem>>[vector<16xi32>, vector<16xi32>], vector<16xf32>,
        %mul3A_131 = arith.constant 128 : i32
        %mul3A_132 = arith.muli %scan3A_94, %mul3A_131 : i32
        %mul3A_133 = arith.constant 16 : i32
        %mul3A_134 = arith.muli %scan3A_113, %mul3A_133 : i32
        %add3A_135 = arith.addi %mul3A_132, %mul3A_134 : i32
        %get3A_136 = arith.constant 1 : i32
        %get3A_137 = arith.index_cast %get3A_136 : i32 to index
        %get3A_138 = arith.index_cast %add3A_135 : i32 to index
        %get3A_139 = tpu.vector_load %arg8[%get3A_137, %get3A_138] {strides = array<i32>} : memref<12x1024xf32, #tpu.memory_space<vmem>>, vector<16xf32>,
        %broadcast_in_dim3A_140 = arith.constant 1 : i32
        %broadcast_in_dim3A_141 = vector.broadcast %broadcast_in_dim3A_140 : i32 to vector<16xi32>
        tpu.vector_store_idx %arg9[%add3A_120, %broadcast_in_dim3A_141], %get3A_139 : memref<4096x16xf32, #tpu.memory_space<vmem>>[vector<16xi32>, vector<16xi32>], vector<16xf32>,
        %mul3A_142 = arith.constant 128 : i32
        %mul3A_143 = arith.muli %scan3A_94, %mul3A_142 : i32
        %mul3A_144 = arith.constant 16 : i32
        %mul3A_145 = arith.muli %scan3A_113, %mul3A_144 : i32
        %add3A_146 = arith.addi %mul3A_143, %mul3A_145 : i32
        %get3A_147 = arith.constant 2 : i32
        %get3A_148 = arith.index_cast %get3A_147 : i32 to index
        %get3A_149 = arith.index_cast %add3A_146 : i32 to index
        %get3A_150 = tpu.vector_load %arg8[%get3A_148, %get3A_149] {strides = array<i32>} : memref<12x1024xf32, #tpu.memory_space<vmem>>, vector<16xf32>,
        %broadcast_in_dim3A_151 = arith.constant 2 : i32
        %broadcast_in_dim3A_152 = vector.broadcast %broadcast_in_dim3A_151 : i32 to vector<16xi32>
        tpu.vector_store_idx %arg9[%add3A_120, %broadcast_in_dim3A_152], %get3A_150 : memref<4096x16xf32, #tpu.memory_space<vmem>>[vector<16xi32>, vector<16xi32>], vector<16xf32>,
        %mul3A_153 = arith.constant 128 : i32
        %mul3A_154 = arith.muli %scan3A_94, %mul3A_153 : i32
        %mul3A_155 = arith.constant 16 : i32
        %mul3A_156 = arith.muli %scan3A_113, %mul3A_155 : i32
        %add3A_157 = arith.addi %mul3A_154, %mul3A_156 : i32
        %get3A_158 = arith.constant 3 : i32
        %get3A_159 = arith.index_cast %get3A_158 : i32 to index
        %get3A_160 = arith.index_cast %add3A_157 : i32 to index
        %get3A_161 = tpu.vector_load %arg8[%get3A_159, %get3A_160] {strides = array<i32>} : memref<12x1024xf32, #tpu.memory_space<vmem>>, vector<16xf32>,
        %broadcast_in_dim3A_162 = arith.constant 3 : i32
        %broadcast_in_dim3A_163 = vector.broadcast %broadcast_in_dim3A_162 : i32 to vector<16xi32>
        tpu.vector_store_idx %arg9[%add3A_120, %broadcast_in_dim3A_163], %get3A_161 : memref<4096x16xf32, #tpu.memory_space<vmem>>[vector<16xi32>, vector<16xi32>], vector<16xf32>,
        %mul3A_164 = arith.constant 128 : i32
        %mul3A_165 = arith.muli %scan3A_94, %mul3A_164 : i32
        %mul3A_166 = arith.constant 16 : i32
        %mul3A_167 = arith.muli %scan3A_113, %mul3A_166 : i32
        %add3A_168 = arith.addi %mul3A_165, %mul3A_167 : i32
        %get3A_169 = arith.constant 4 : i32
        %get3A_170 = arith.index_cast %get3A_169 : i32 to index
        %get3A_171 = arith.index_cast %add3A_168 : i32 to index
        %get3A_172 = tpu.vector_load %arg8[%get3A_170, %get3A_171] {strides = array<i32>} : memref<12x1024xf32, #tpu.memory_space<vmem>>, vector<16xf32>,
        %broadcast_in_dim3A_173 = arith.constant 4 : i32
        %broadcast_in_dim3A_174 = vector.broadcast %broadcast_in_dim3A_173 : i32 to vector<16xi32>
        tpu.vector_store_idx %arg9[%add3A_120, %broadcast_in_dim3A_174], %get3A_172 : memref<4096x16xf32, #tpu.memory_space<vmem>>[vector<16xi32>, vector<16xi32>], vector<16xf32>,
        %mul3A_175 = arith.constant 128 : i32
        %mul3A_176 = arith.muli %scan3A_94, %mul3A_175 : i32
        %mul3A_177 = arith.constant 16 : i32
        %mul3A_178 = arith.muli %scan3A_113, %mul3A_177 : i32
        %add3A_179 = arith.addi %mul3A_176, %mul3A_178 : i32
        %get3A_180 = arith.constant 5 : i32
        %get3A_181 = arith.index_cast %get3A_180 : i32 to index
        %get3A_182 = arith.index_cast %add3A_179 : i32 to index
        %get3A_183 = tpu.vector_load %arg8[%get3A_181, %get3A_182] {strides = array<i32>} : memref<12x1024xf32, #tpu.memory_space<vmem>>, vector<16xf32>,
        %broadcast_in_dim3A_184 = arith.constant 5 : i32
        %broadcast_in_dim3A_185 = vector.broadcast %broadcast_in_dim3A_184 : i32 to vector<16xi32>
        tpu.vector_store_idx %arg9[%add3A_120, %broadcast_in_dim3A_185], %get3A_183 : memref<4096x16xf32, #tpu.memory_space<vmem>>[vector<16xi32>, vector<16xi32>], vector<16xf32>,
        %mul3A_186 = arith.constant 128 : i32
        %mul3A_187 = arith.muli %scan3A_94, %mul3A_186 : i32
        %mul3A_188 = arith.constant 16 : i32
        %mul3A_189 = arith.muli %scan3A_113, %mul3A_188 : i32
        %add3A_190 = arith.addi %mul3A_187, %mul3A_189 : i32
        %get3A_191 = arith.constant 6 : i32
        %get3A_192 = arith.index_cast %get3A_191 : i32 to index
        %get3A_193 = arith.index_cast %add3A_190 : i32 to index
        %get3A_194 = tpu.vector_load %arg8[%get3A_192, %get3A_193] {strides = array<i32>} : memref<12x1024xf32, #tpu.memory_space<vmem>>, vector<16xf32>,
        %broadcast_in_dim3A_195 = arith.constant 6 : i32
        %broadcast_in_dim3A_196 = vector.broadcast %broadcast_in_dim3A_195 : i32 to vector<16xi32>
        tpu.vector_store_idx %arg9[%add3A_120, %broadcast_in_dim3A_196], %get3A_194 : memref<4096x16xf32, #tpu.memory_space<vmem>>[vector<16xi32>, vector<16xi32>], vector<16xf32>,
        %mul3A_197 = arith.constant 128 : i32
        %mul3A_198 = arith.muli %scan3A_94, %mul3A_197 : i32
        %mul3A_199 = arith.constant 16 : i32
        %mul3A_200 = arith.muli %scan3A_113, %mul3A_199 : i32
        %add3A_201 = arith.addi %mul3A_198, %mul3A_200 : i32
        %get3A_202 = arith.constant 7 : i32
        %get3A_203 = arith.index_cast %get3A_202 : i32 to index
        %get3A_204 = arith.index_cast %add3A_201 : i32 to index
        %get3A_205 = tpu.vector_load %arg8[%get3A_203, %get3A_204] {strides = array<i32>} : memref<12x1024xf32, #tpu.memory_space<vmem>>, vector<16xf32>,
        %broadcast_in_dim3A_206 = arith.constant 7 : i32
        %broadcast_in_dim3A_207 = vector.broadcast %broadcast_in_dim3A_206 : i32 to vector<16xi32>
        tpu.vector_store_idx %arg9[%add3A_120, %broadcast_in_dim3A_207], %get3A_205 : memref<4096x16xf32, #tpu.memory_space<vmem>>[vector<16xi32>, vector<16xi32>], vector<16xf32>,
        %mul3A_208 = arith.constant 128 : i32
        %mul3A_209 = arith.muli %scan3A_94, %mul3A_208 : i32
        %mul3A_210 = arith.constant 16 : i32
        %mul3A_211 = arith.muli %scan3A_113, %mul3A_210 : i32
        %add3A_212 = arith.addi %mul3A_209, %mul3A_211 : i32
        %get3A_213 = arith.constant 8 : i32
        %get3A_214 = arith.index_cast %get3A_213 : i32 to index
        %get3A_215 = arith.index_cast %add3A_212 : i32 to index
        %get3A_216 = tpu.vector_load %arg8[%get3A_214, %get3A_215] {strides = array<i32>} : memref<12x1024xf32, #tpu.memory_space<vmem>>, vector<16xf32>,
        %broadcast_in_dim3A_217 = arith.constant 8 : i32
        %broadcast_in_dim3A_218 = vector.broadcast %broadcast_in_dim3A_217 : i32 to vector<16xi32>
        tpu.vector_store_idx %arg9[%add3A_120, %broadcast_in_dim3A_218], %get3A_216 : memref<4096x16xf32, #tpu.memory_space<vmem>>[vector<16xi32>, vector<16xi32>], vector<16xf32>,
        %mul3A_219 = arith.constant 128 : i32
        %mul3A_220 = arith.muli %scan3A_94, %mul3A_219 : i32
        %mul3A_221 = arith.constant 16 : i32
        %mul3A_222 = arith.muli %scan3A_113, %mul3A_221 : i32
        %add3A_223 = arith.addi %mul3A_220, %mul3A_222 : i32
        %get3A_224 = arith.constant 9 : i32
        %get3A_225 = arith.index_cast %get3A_224 : i32 to index
        %get3A_226 = arith.index_cast %add3A_223 : i32 to index
        %get3A_227 = tpu.vector_load %arg8[%get3A_225, %get3A_226] {strides = array<i32>} : memref<12x1024xf32, #tpu.memory_space<vmem>>, vector<16xf32>,
        %broadcast_in_dim3A_228 = arith.constant 9 : i32
        %broadcast_in_dim3A_229 = vector.broadcast %broadcast_in_dim3A_228 : i32 to vector<16xi32>
        tpu.vector_store_idx %arg9[%add3A_120, %broadcast_in_dim3A_229], %get3A_227 : memref<4096x16xf32, #tpu.memory_space<vmem>>[vector<16xi32>, vector<16xi32>], vector<16xf32>,
        %mul3A_230 = arith.constant 128 : i32
        %mul3A_231 = arith.muli %scan3A_94, %mul3A_230 : i32
        %mul3A_232 = arith.constant 16 : i32
        %mul3A_233 = arith.muli %scan3A_113, %mul3A_232 : i32
        %add3A_234 = arith.addi %mul3A_231, %mul3A_233 : i32
        %get3A_235 = arith.constant 10 : i32
        %get3A_236 = arith.index_cast %get3A_235 : i32 to index
        %get3A_237 = arith.index_cast %add3A_234 : i32 to index
        %get3A_238 = tpu.vector_load %arg8[%get3A_236, %get3A_237] {strides = array<i32>} : memref<12x1024xf32, #tpu.memory_space<vmem>>, vector<16xf32>,
        %broadcast_in_dim3A_239 = arith.constant 10 : i32
        %broadcast_in_dim3A_240 = vector.broadcast %broadcast_in_dim3A_239 : i32 to vector<16xi32>
        tpu.vector_store_idx %arg9[%add3A_120, %broadcast_in_dim3A_240], %get3A_238 : memref<4096x16xf32, #tpu.memory_space<vmem>>[vector<16xi32>, vector<16xi32>], vector<16xf32>,
        %mul3A_241 = arith.constant 128 : i32
        %mul3A_242 = arith.muli %scan3A_94, %mul3A_241 : i32
        %mul3A_243 = arith.constant 16 : i32
        %mul3A_244 = arith.muli %scan3A_113, %mul3A_243 : i32
        %add3A_245 = arith.addi %mul3A_242, %mul3A_244 : i32
        %get3A_246 = arith.constant 11 : i32
        %get3A_247 = arith.index_cast %get3A_246 : i32 to index
        %get3A_248 = arith.index_cast %add3A_245 : i32 to index
        %get3A_249 = tpu.vector_load %arg8[%get3A_247, %get3A_248] {strides = array<i32>} : memref<12x1024xf32, #tpu.memory_space<vmem>>, vector<16xf32>,
        %broadcast_in_dim3A_250 = arith.constant 11 : i32
        %broadcast_in_dim3A_251 = vector.broadcast %broadcast_in_dim3A_250 : i32 to vector<16xi32>
        tpu.vector_store_idx %arg9[%add3A_120, %broadcast_in_dim3A_251], %get3A_249 : memref<4096x16xf32, #tpu.memory_space<vmem>>[vector<16xi32>, vector<16xi32>], vector<16xf32>,
        %broadcast_in_dim3A_252 = arith.constant 12 : i32
        %broadcast_in_dim3A_253 = vector.broadcast %broadcast_in_dim3A_252 : i32 to vector<16xi32>
        tpu.vector_store_idx %arg9[%add3A_120, %broadcast_in_dim3A_253], %broadcast_in_dim3A_10 : memref<4096x16xf32, #tpu.memory_space<vmem>>[vector<16xi32>, vector<16xi32>], vector<16xf32>,
      }
      %scan3A_102 = arith.constant 8 : i32
      %mul3A_103 = arith.constant 128 : i32
      %mul3A_104 = arith.muli %add3A_96, %mul3A_103 : i32
      %dma_start3A_105 = arith.constant 0 : i32
      %dma_start3A_106 = tpu.memref_slice %arg9[%mul3A_104, %dma_start3A_105] : memref<4096x16xf32, #tpu.memory_space<vmem>> -> memref<128x16xf32, #tpu.memory_space<vmem>>
      %dma_start3A_107 = arith.constant 0 : i32
      %dma_start3A_108 = tpu.memref_slice %arg10[%add3A_96, %dma_start3A_107] : memref<32x128xi32, #tpu.memory_space<vmem>> -> memref<1x128xi32, #tpu.memory_space<vmem>>
      %dma_start3A_109 = tpu.memref_squeeze %dma_start3A_108 : memref<1x128xi32, #tpu.memory_space<vmem>> -> memref<128xi32, #tpu.memory_space<vmem>>
      %dma_start3A_110 = arith.constant 0 : i32
      %dma_start3A_111 = arith.constant 0 : i32
      %dma_start3A_112 = tpu.memref_slice %arg13[%dma_start3A_110, %dma_start3A_111] : memref<8192x16xf32, #tpu.memory_space<vmem_shared>> -> memref<8192x16xf32, #tpu.memory_space<vmem_shared>>
      tpu.enqueue_indirect_dma source(%dma_start3A_106 : memref<128x16xf32, #tpu.memory_space<vmem>>) target(%dma_start3A_112 : memref<8192x16xf32, #tpu.memory_space<vmem_shared>>) offsets(%dma_start3A_109 : memref<128xi32, #tpu.memory_space<vmem>>) semaphore(%arg14 : memref<!tpu.dma_semaphore, #tpu.memory_space<semaphore_mem>>) {add = true}
    }
    %scan3A_44 = arith.constant 8 : i32
    %dma_wait3A_45 = arith.constant 0 : i32
    %dma_wait3A_46 = tpu.memref_slice %arg2[%dma_wait3A_45, %add3A_34] : memref<12x131072xf32, #tpu.memory_space<hbm>> -> memref<12x1024xf32, #tpu.memory_space<hbm>>
    %dma_wait3A_47 = arith.constant 0 : i32
    %dma_wait3A_48 = tpu.memref_slice %arg2[%dma_wait3A_47, %add3A_34] : memref<12x131072xf32, #tpu.memory_space<hbm>> -> memref<12x1024xf32, #tpu.memory_space<hbm>>
    tpu.wait_dma2 semaphore(%arg15 : memref<!tpu.dma_semaphore, #tpu.memory_space<semaphore_mem>>) src(%dma_wait3A_48 : memref<12x1024xf32, #tpu.memory_space<hbm>>) dst(%arg7 : memref<12x1024xf32, #tpu.memory_space<vmem>>)
    %mul3A_49 = arith.constant 4096 : i32
    %mul3A_50 = arith.muli %add3A, %mul3A_49 : i32
    %add3A_51 = arith.constant 3072 : i32
    %add3A_52 = arith.addi %mul3A_50, %add3A_51 : i32
    %dma_start3A_53 = arith.constant 0 : i32
    %dma_start3A_54 = tpu.memref_slice %arg2[%dma_start3A_53, %add3A_52] : memref<12x131072xf32, #tpu.memory_space<hbm>> -> memref<12x1024xf32, #tpu.memory_space<hbm>>
    %dma_start3A_55 = arith.constant 0 : i32
    %dma_start3A_56 = tpu.memref_slice %arg2[%dma_start3A_55, %add3A_52] : memref<12x131072xf32, #tpu.memory_space<hbm>> -> memref<12x1024xf32, #tpu.memory_space<hbm>>
    tpu.enqueue_dma source(%dma_start3A_56 : memref<12x1024xf32, #tpu.memory_space<hbm>>) target(%arg8 : memref<12x1024xf32, #tpu.memory_space<vmem>>) target_semaphore(%arg15 : memref<!tpu.dma_semaphore, #tpu.memory_space<semaphore_mem>>)
    %scan3A_57 = arith.constant 0 : i32
    %scan3A_58 = arith.constant 0 : i32
    %scan3A_59 = arith.constant 8 : i32
    %scan3A_60 = arith.addi %scan3A_58, %scan3A_59 : i32
    %scan3A_61 = arith.constant 1 : i32
    scf.for %scan3A_94 = %scan3A_58 to %scan3A_60 step %scan3A_61  : i32 {
      %add3A_95 = arith.constant 16 : i32
      %add3A_96 = arith.addi %add3A_95, %scan3A_94 : i32
      %scan3A_97 = arith.constant 0 : i32
      %scan3A_98 = arith.constant 0 : i32
      %scan3A_99 = arith.constant 8 : i32
      %scan3A_100 = arith.addi %scan3A_98, %scan3A_99 : i32
      %scan3A_101 = arith.constant 1 : i32
      scf.for %scan3A_113 = %scan3A_98 to %scan3A_100 step %scan3A_101  : i32 {
        %mul3A_114 = arith.constant 128 : i32
        %mul3A_115 = arith.muli %add3A_96, %mul3A_114 : i32
        %mul3A_116 = arith.constant 16 : i32
        %mul3A_117 = arith.muli %scan3A_113, %mul3A_116 : i32
        %add3A_118 = arith.addi %mul3A_115, %mul3A_117 : i32
        %add3A_119 = vector.broadcast %add3A_118 : i32 to vector<16xi32>
        %add3A_120 = arith.addi %add3A_119, %iota3A : vector<16xi32>
        %mul3A_121 = arith.constant 128 : i32
        %mul3A_122 = arith.muli %scan3A_94, %mul3A_121 : i32
        %mul3A_123 = arith.constant 16 : i32
        %mul3A_124 = arith.muli %scan3A_113, %mul3A_123 : i32
        %add3A_125 = arith.addi %mul3A_122, %mul3A_124 : i32
        %get3A = arith.constant 0 : i32
        %get3A_126 = arith.index_cast %get3A : i32 to index
        %get3A_127 = arith.index_cast %add3A_125 : i32 to index
        %get3A_128 = tpu.vector_load %arg7[%get3A_126, %get3A_127] {strides = array<i32>} : memref<12x1024xf32, #tpu.memory_space<vmem>>, vector<16xf32>,
        %broadcast_in_dim3A_129 = arith.constant 0 : i32
        %broadcast_in_dim3A_130 = vector.broadcast %broadcast_in_dim3A_129 : i32 to vector<16xi32>
        tpu.vector_store_idx %arg9[%add3A_120, %broadcast_in_dim3A_130], %get3A_128 : memref<4096x16xf32, #tpu.memory_space<vmem>>[vector<16xi32>, vector<16xi32>], vector<16xf32>,
        %mul3A_131 = arith.constant 128 : i32
        %mul3A_132 = arith.muli %scan3A_94, %mul3A_131 : i32
        %mul3A_133 = arith.constant 16 : i32
        %mul3A_134 = arith.muli %scan3A_113, %mul3A_133 : i32
        %add3A_135 = arith.addi %mul3A_132, %mul3A_134 : i32
        %get3A_136 = arith.constant 1 : i32
        %get3A_137 = arith.index_cast %get3A_136 : i32 to index
        %get3A_138 = arith.index_cast %add3A_135 : i32 to index
        %get3A_139 = tpu.vector_load %arg7[%get3A_137, %get3A_138] {strides = array<i32>} : memref<12x1024xf32, #tpu.memory_space<vmem>>, vector<16xf32>,
        %broadcast_in_dim3A_140 = arith.constant 1 : i32
        %broadcast_in_dim3A_141 = vector.broadcast %broadcast_in_dim3A_140 : i32 to vector<16xi32>
        tpu.vector_store_idx %arg9[%add3A_120, %broadcast_in_dim3A_141], %get3A_139 : memref<4096x16xf32, #tpu.memory_space<vmem>>[vector<16xi32>, vector<16xi32>], vector<16xf32>,
        %mul3A_142 = arith.constant 128 : i32
        %mul3A_143 = arith.muli %scan3A_94, %mul3A_142 : i32
        %mul3A_144 = arith.constant 16 : i32
        %mul3A_145 = arith.muli %scan3A_113, %mul3A_144 : i32
        %add3A_146 = arith.addi %mul3A_143, %mul3A_145 : i32
        %get3A_147 = arith.constant 2 : i32
        %get3A_148 = arith.index_cast %get3A_147 : i32 to index
        %get3A_149 = arith.index_cast %add3A_146 : i32 to index
        %get3A_150 = tpu.vector_load %arg7[%get3A_148, %get3A_149] {strides = array<i32>} : memref<12x1024xf32, #tpu.memory_space<vmem>>, vector<16xf32>,
        %broadcast_in_dim3A_151 = arith.constant 2 : i32
        %broadcast_in_dim3A_152 = vector.broadcast %broadcast_in_dim3A_151 : i32 to vector<16xi32>
        tpu.vector_store_idx %arg9[%add3A_120, %broadcast_in_dim3A_152], %get3A_150 : memref<4096x16xf32, #tpu.memory_space<vmem>>[vector<16xi32>, vector<16xi32>], vector<16xf32>,
        %mul3A_153 = arith.constant 128 : i32
        %mul3A_154 = arith.muli %scan3A_94, %mul3A_153 : i32
        %mul3A_155 = arith.constant 16 : i32
        %mul3A_156 = arith.muli %scan3A_113, %mul3A_155 : i32
        %add3A_157 = arith.addi %mul3A_154, %mul3A_156 : i32
        %get3A_158 = arith.constant 3 : i32
        %get3A_159 = arith.index_cast %get3A_158 : i32 to index
        %get3A_160 = arith.index_cast %add3A_157 : i32 to index
        %get3A_161 = tpu.vector_load %arg7[%get3A_159, %get3A_160] {strides = array<i32>} : memref<12x1024xf32, #tpu.memory_space<vmem>>, vector<16xf32>,
        %broadcast_in_dim3A_162 = arith.constant 3 : i32
        %broadcast_in_dim3A_163 = vector.broadcast %broadcast_in_dim3A_162 : i32 to vector<16xi32>
        tpu.vector_store_idx %arg9[%add3A_120, %broadcast_in_dim3A_163], %get3A_161 : memref<4096x16xf32, #tpu.memory_space<vmem>>[vector<16xi32>, vector<16xi32>], vector<16xf32>,
        %mul3A_164 = arith.constant 128 : i32
        %mul3A_165 = arith.muli %scan3A_94, %mul3A_164 : i32
        %mul3A_166 = arith.constant 16 : i32
        %mul3A_167 = arith.muli %scan3A_113, %mul3A_166 : i32
        %add3A_168 = arith.addi %mul3A_165, %mul3A_167 : i32
        %get3A_169 = arith.constant 4 : i32
        %get3A_170 = arith.index_cast %get3A_169 : i32 to index
        %get3A_171 = arith.index_cast %add3A_168 : i32 to index
        %get3A_172 = tpu.vector_load %arg7[%get3A_170, %get3A_171] {strides = array<i32>} : memref<12x1024xf32, #tpu.memory_space<vmem>>, vector<16xf32>,
        %broadcast_in_dim3A_173 = arith.constant 4 : i32
        %broadcast_in_dim3A_174 = vector.broadcast %broadcast_in_dim3A_173 : i32 to vector<16xi32>
        tpu.vector_store_idx %arg9[%add3A_120, %broadcast_in_dim3A_174], %get3A_172 : memref<4096x16xf32, #tpu.memory_space<vmem>>[vector<16xi32>, vector<16xi32>], vector<16xf32>,
        %mul3A_175 = arith.constant 128 : i32
        %mul3A_176 = arith.muli %scan3A_94, %mul3A_175 : i32
        %mul3A_177 = arith.constant 16 : i32
        %mul3A_178 = arith.muli %scan3A_113, %mul3A_177 : i32
        %add3A_179 = arith.addi %mul3A_176, %mul3A_178 : i32
        %get3A_180 = arith.constant 5 : i32
        %get3A_181 = arith.index_cast %get3A_180 : i32 to index
        %get3A_182 = arith.index_cast %add3A_179 : i32 to index
        %get3A_183 = tpu.vector_load %arg7[%get3A_181, %get3A_182] {strides = array<i32>} : memref<12x1024xf32, #tpu.memory_space<vmem>>, vector<16xf32>,
        %broadcast_in_dim3A_184 = arith.constant 5 : i32
        %broadcast_in_dim3A_185 = vector.broadcast %broadcast_in_dim3A_184 : i32 to vector<16xi32>
        tpu.vector_store_idx %arg9[%add3A_120, %broadcast_in_dim3A_185], %get3A_183 : memref<4096x16xf32, #tpu.memory_space<vmem>>[vector<16xi32>, vector<16xi32>], vector<16xf32>,
        %mul3A_186 = arith.constant 128 : i32
        %mul3A_187 = arith.muli %scan3A_94, %mul3A_186 : i32
        %mul3A_188 = arith.constant 16 : i32
        %mul3A_189 = arith.muli %scan3A_113, %mul3A_188 : i32
        %add3A_190 = arith.addi %mul3A_187, %mul3A_189 : i32
        %get3A_191 = arith.constant 6 : i32
        %get3A_192 = arith.index_cast %get3A_191 : i32 to index
        %get3A_193 = arith.index_cast %add3A_190 : i32 to index
        %get3A_194 = tpu.vector_load %arg7[%get3A_192, %get3A_193] {strides = array<i32>} : memref<12x1024xf32, #tpu.memory_space<vmem>>, vector<16xf32>,
        %broadcast_in_dim3A_195 = arith.constant 6 : i32
        %broadcast_in_dim3A_196 = vector.broadcast %broadcast_in_dim3A_195 : i32 to vector<16xi32>
        tpu.vector_store_idx %arg9[%add3A_120, %broadcast_in_dim3A_196], %get3A_194 : memref<4096x16xf32, #tpu.memory_space<vmem>>[vector<16xi32>, vector<16xi32>], vector<16xf32>,
        %mul3A_197 = arith.constant 128 : i32
        %mul3A_198 = arith.muli %scan3A_94, %mul3A_197 : i32
        %mul3A_199 = arith.constant 16 : i32
        %mul3A_200 = arith.muli %scan3A_113, %mul3A_199 : i32
        %add3A_201 = arith.addi %mul3A_198, %mul3A_200 : i32
        %get3A_202 = arith.constant 7 : i32
        %get3A_203 = arith.index_cast %get3A_202 : i32 to index
        %get3A_204 = arith.index_cast %add3A_201 : i32 to index
        %get3A_205 = tpu.vector_load %arg7[%get3A_203, %get3A_204] {strides = array<i32>} : memref<12x1024xf32, #tpu.memory_space<vmem>>, vector<16xf32>,
        %broadcast_in_dim3A_206 = arith.constant 7 : i32
        %broadcast_in_dim3A_207 = vector.broadcast %broadcast_in_dim3A_206 : i32 to vector<16xi32>
        tpu.vector_store_idx %arg9[%add3A_120, %broadcast_in_dim3A_207], %get3A_205 : memref<4096x16xf32, #tpu.memory_space<vmem>>[vector<16xi32>, vector<16xi32>], vector<16xf32>,
        %mul3A_208 = arith.constant 128 : i32
        %mul3A_209 = arith.muli %scan3A_94, %mul3A_208 : i32
        %mul3A_210 = arith.constant 16 : i32
        %mul3A_211 = arith.muli %scan3A_113, %mul3A_210 : i32
        %add3A_212 = arith.addi %mul3A_209, %mul3A_211 : i32
        %get3A_213 = arith.constant 8 : i32
        %get3A_214 = arith.index_cast %get3A_213 : i32 to index
        %get3A_215 = arith.index_cast %add3A_212 : i32 to index
        %get3A_216 = tpu.vector_load %arg7[%get3A_214, %get3A_215] {strides = array<i32>} : memref<12x1024xf32, #tpu.memory_space<vmem>>, vector<16xf32>,
        %broadcast_in_dim3A_217 = arith.constant 8 : i32
        %broadcast_in_dim3A_218 = vector.broadcast %broadcast_in_dim3A_217 : i32 to vector<16xi32>
        tpu.vector_store_idx %arg9[%add3A_120, %broadcast_in_dim3A_218], %get3A_216 : memref<4096x16xf32, #tpu.memory_space<vmem>>[vector<16xi32>, vector<16xi32>], vector<16xf32>,
        %mul3A_219 = arith.constant 128 : i32
        %mul3A_220 = arith.muli %scan3A_94, %mul3A_219 : i32
        %mul3A_221 = arith.constant 16 : i32
        %mul3A_222 = arith.muli %scan3A_113, %mul3A_221 : i32
        %add3A_223 = arith.addi %mul3A_220, %mul3A_222 : i32
        %get3A_224 = arith.constant 9 : i32
        %get3A_225 = arith.index_cast %get3A_224 : i32 to index
        %get3A_226 = arith.index_cast %add3A_223 : i32 to index
        %get3A_227 = tpu.vector_load %arg7[%get3A_225, %get3A_226] {strides = array<i32>} : memref<12x1024xf32, #tpu.memory_space<vmem>>, vector<16xf32>,
        %broadcast_in_dim3A_228 = arith.constant 9 : i32
        %broadcast_in_dim3A_229 = vector.broadcast %broadcast_in_dim3A_228 : i32 to vector<16xi32>
        tpu.vector_store_idx %arg9[%add3A_120, %broadcast_in_dim3A_229], %get3A_227 : memref<4096x16xf32, #tpu.memory_space<vmem>>[vector<16xi32>, vector<16xi32>], vector<16xf32>,
        %mul3A_230 = arith.constant 128 : i32
        %mul3A_231 = arith.muli %scan3A_94, %mul3A_230 : i32
        %mul3A_232 = arith.constant 16 : i32
        %mul3A_233 = arith.muli %scan3A_113, %mul3A_232 : i32
        %add3A_234 = arith.addi %mul3A_231, %mul3A_233 : i32
        %get3A_235 = arith.constant 10 : i32
        %get3A_236 = arith.index_cast %get3A_235 : i32 to index
        %get3A_237 = arith.index_cast %add3A_234 : i32 to index
        %get3A_238 = tpu.vector_load %arg7[%get3A_236, %get3A_237] {strides = array<i32>} : memref<12x1024xf32, #tpu.memory_space<vmem>>, vector<16xf32>,
        %broadcast_in_dim3A_239 = arith.constant 10 : i32
        %broadcast_in_dim3A_240 = vector.broadcast %broadcast_in_dim3A_239 : i32 to vector<16xi32>
        tpu.vector_store_idx %arg9[%add3A_120, %broadcast_in_dim3A_240], %get3A_238 : memref<4096x16xf32, #tpu.memory_space<vmem>>[vector<16xi32>, vector<16xi32>], vector<16xf32>,
        %mul3A_241 = arith.constant 128 : i32
        %mul3A_242 = arith.muli %scan3A_94, %mul3A_241 : i32
        %mul3A_243 = arith.constant 16 : i32
        %mul3A_244 = arith.muli %scan3A_113, %mul3A_243 : i32
        %add3A_245 = arith.addi %mul3A_242, %mul3A_244 : i32
        %get3A_246 = arith.constant 11 : i32
        %get3A_247 = arith.index_cast %get3A_246 : i32 to index
        %get3A_248 = arith.index_cast %add3A_245 : i32 to index
        %get3A_249 = tpu.vector_load %arg7[%get3A_247, %get3A_248] {strides = array<i32>} : memref<12x1024xf32, #tpu.memory_space<vmem>>, vector<16xf32>,
        %broadcast_in_dim3A_250 = arith.constant 11 : i32
        %broadcast_in_dim3A_251 = vector.broadcast %broadcast_in_dim3A_250 : i32 to vector<16xi32>
        tpu.vector_store_idx %arg9[%add3A_120, %broadcast_in_dim3A_251], %get3A_249 : memref<4096x16xf32, #tpu.memory_space<vmem>>[vector<16xi32>, vector<16xi32>], vector<16xf32>,
        %broadcast_in_dim3A_252 = arith.constant 12 : i32
        %broadcast_in_dim3A_253 = vector.broadcast %broadcast_in_dim3A_252 : i32 to vector<16xi32>
        tpu.vector_store_idx %arg9[%add3A_120, %broadcast_in_dim3A_253], %broadcast_in_dim3A_10 : memref<4096x16xf32, #tpu.memory_space<vmem>>[vector<16xi32>, vector<16xi32>], vector<16xf32>,
      }
      %scan3A_102 = arith.constant 8 : i32
      %mul3A_103 = arith.constant 128 : i32
      %mul3A_104 = arith.muli %add3A_96, %mul3A_103 : i32
      %dma_start3A_105 = arith.constant 0 : i32
      %dma_start3A_106 = tpu.memref_slice %arg9[%mul3A_104, %dma_start3A_105] : memref<4096x16xf32, #tpu.memory_space<vmem>> -> memref<128x16xf32, #tpu.memory_space<vmem>>
      %dma_start3A_107 = arith.constant 0 : i32
      %dma_start3A_108 = tpu.memref_slice %arg10[%add3A_96, %dma_start3A_107] : memref<32x128xi32, #tpu.memory_space<vmem>> -> memref<1x128xi32, #tpu.memory_space<vmem>>
      %dma_start3A_109 = tpu.memref_squeeze %dma_start3A_108 : memref<1x128xi32, #tpu.memory_space<vmem>> -> memref<128xi32, #tpu.memory_space<vmem>>
      %dma_start3A_110 = arith.constant 0 : i32
      %dma_start3A_111 = arith.constant 0 : i32
      %dma_start3A_112 = tpu.memref_slice %arg13[%dma_start3A_110, %dma_start3A_111] : memref<8192x16xf32, #tpu.memory_space<vmem_shared>> -> memref<8192x16xf32, #tpu.memory_space<vmem_shared>>
      tpu.enqueue_indirect_dma source(%dma_start3A_106 : memref<128x16xf32, #tpu.memory_space<vmem>>) target(%dma_start3A_112 : memref<8192x16xf32, #tpu.memory_space<vmem_shared>>) offsets(%dma_start3A_109 : memref<128xi32, #tpu.memory_space<vmem>>) semaphore(%arg14 : memref<!tpu.dma_semaphore, #tpu.memory_space<semaphore_mem>>) {add = true}
    }
    %scan3A_62 = arith.constant 8 : i32
    %dma_wait3A_63 = arith.constant 0 : i32
    %dma_wait3A_64 = tpu.memref_slice %arg2[%dma_wait3A_63, %add3A_52] : memref<12x131072xf32, #tpu.memory_space<hbm>> -> memref<12x1024xf32, #tpu.memory_space<hbm>>
    %dma_wait3A_65 = arith.constant 0 : i32
    %dma_wait3A_66 = tpu.memref_slice %arg2[%dma_wait3A_65, %add3A_52] : memref<12x131072xf32, #tpu.memory_space<hbm>> -> memref<12x1024xf32, #tpu.memory_space<hbm>>
    tpu.wait_dma2 semaphore(%arg15 : memref<!tpu.dma_semaphore, #tpu.memory_space<semaphore_mem>>) src(%dma_wait3A_66 : memref<12x1024xf32, #tpu.memory_space<hbm>>) dst(%arg8 : memref<12x1024xf32, #tpu.memory_space<vmem>>)
    %scan3A_67 = arith.constant 0 : i32
    %scan3A_68 = arith.constant 0 : i32
    %scan3A_69 = arith.constant 8 : i32
    %scan3A_70 = arith.addi %scan3A_68, %scan3A_69 : i32
    %scan3A_71 = arith.constant 1 : i32
    scf.for %scan3A_94 = %scan3A_68 to %scan3A_70 step %scan3A_71  : i32 {
      %add3A_95 = arith.constant 24 : i32
      %add3A_96 = arith.addi %add3A_95, %scan3A_94 : i32
      %scan3A_97 = arith.constant 0 : i32
      %scan3A_98 = arith.constant 0 : i32
      %scan3A_99 = arith.constant 8 : i32
      %scan3A_100 = arith.addi %scan3A_98, %scan3A_99 : i32
      %scan3A_101 = arith.constant 1 : i32
      scf.for %scan3A_113 = %scan3A_98 to %scan3A_100 step %scan3A_101  : i32 {
        %mul3A_114 = arith.constant 128 : i32
        %mul3A_115 = arith.muli %add3A_96, %mul3A_114 : i32
        %mul3A_116 = arith.constant 16 : i32
        %mul3A_117 = arith.muli %scan3A_113, %mul3A_116 : i32
        %add3A_118 = arith.addi %mul3A_115, %mul3A_117 : i32
        %add3A_119 = vector.broadcast %add3A_118 : i32 to vector<16xi32>
        %add3A_120 = arith.addi %add3A_119, %iota3A : vector<16xi32>
        %mul3A_121 = arith.constant 128 : i32
        %mul3A_122 = arith.muli %scan3A_94, %mul3A_121 : i32
        %mul3A_123 = arith.constant 16 : i32
        %mul3A_124 = arith.muli %scan3A_113, %mul3A_123 : i32
        %add3A_125 = arith.addi %mul3A_122, %mul3A_124 : i32
        %get3A = arith.constant 0 : i32
        %get3A_126 = arith.index_cast %get3A : i32 to index
        %get3A_127 = arith.index_cast %add3A_125 : i32 to index
        %get3A_128 = tpu.vector_load %arg8[%get3A_126, %get3A_127] {strides = array<i32>} : memref<12x1024xf32, #tpu.memory_space<vmem>>, vector<16xf32>,
        %broadcast_in_dim3A_129 = arith.constant 0 : i32
        %broadcast_in_dim3A_130 = vector.broadcast %broadcast_in_dim3A_129 : i32 to vector<16xi32>
        tpu.vector_store_idx %arg9[%add3A_120, %broadcast_in_dim3A_130], %get3A_128 : memref<4096x16xf32, #tpu.memory_space<vmem>>[vector<16xi32>, vector<16xi32>], vector<16xf32>,
        %mul3A_131 = arith.constant 128 : i32
        %mul3A_132 = arith.muli %scan3A_94, %mul3A_131 : i32
        %mul3A_133 = arith.constant 16 : i32
        %mul3A_134 = arith.muli %scan3A_113, %mul3A_133 : i32
        %add3A_135 = arith.addi %mul3A_132, %mul3A_134 : i32
        %get3A_136 = arith.constant 1 : i32
        %get3A_137 = arith.index_cast %get3A_136 : i32 to index
        %get3A_138 = arith.index_cast %add3A_135 : i32 to index
        %get3A_139 = tpu.vector_load %arg8[%get3A_137, %get3A_138] {strides = array<i32>} : memref<12x1024xf32, #tpu.memory_space<vmem>>, vector<16xf32>,
        %broadcast_in_dim3A_140 = arith.constant 1 : i32
        %broadcast_in_dim3A_141 = vector.broadcast %broadcast_in_dim3A_140 : i32 to vector<16xi32>
        tpu.vector_store_idx %arg9[%add3A_120, %broadcast_in_dim3A_141], %get3A_139 : memref<4096x16xf32, #tpu.memory_space<vmem>>[vector<16xi32>, vector<16xi32>], vector<16xf32>,
        %mul3A_142 = arith.constant 128 : i32
        %mul3A_143 = arith.muli %scan3A_94, %mul3A_142 : i32
        %mul3A_144 = arith.constant 16 : i32
        %mul3A_145 = arith.muli %scan3A_113, %mul3A_144 : i32
        %add3A_146 = arith.addi %mul3A_143, %mul3A_145 : i32
        %get3A_147 = arith.constant 2 : i32
        %get3A_148 = arith.index_cast %get3A_147 : i32 to index
        %get3A_149 = arith.index_cast %add3A_146 : i32 to index
        %get3A_150 = tpu.vector_load %arg8[%get3A_148, %get3A_149] {strides = array<i32>} : memref<12x1024xf32, #tpu.memory_space<vmem>>, vector<16xf32>,
        %broadcast_in_dim3A_151 = arith.constant 2 : i32
        %broadcast_in_dim3A_152 = vector.broadcast %broadcast_in_dim3A_151 : i32 to vector<16xi32>
        tpu.vector_store_idx %arg9[%add3A_120, %broadcast_in_dim3A_152], %get3A_150 : memref<4096x16xf32, #tpu.memory_space<vmem>>[vector<16xi32>, vector<16xi32>], vector<16xf32>,
        %mul3A_153 = arith.constant 128 : i32
        %mul3A_154 = arith.muli %scan3A_94, %mul3A_153 : i32
        %mul3A_155 = arith.constant 16 : i32
        %mul3A_156 = arith.muli %scan3A_113, %mul3A_155 : i32
        %add3A_157 = arith.addi %mul3A_154, %mul3A_156 : i32
        %get3A_158 = arith.constant 3 : i32
        %get3A_159 = arith.index_cast %get3A_158 : i32 to index
        %get3A_160 = arith.index_cast %add3A_157 : i32 to index
        %get3A_161 = tpu.vector_load %arg8[%get3A_159, %get3A_160] {strides = array<i32>} : memref<12x1024xf32, #tpu.memory_space<vmem>>, vector<16xf32>,
        %broadcast_in_dim3A_162 = arith.constant 3 : i32
        %broadcast_in_dim3A_163 = vector.broadcast %broadcast_in_dim3A_162 : i32 to vector<16xi32>
        tpu.vector_store_idx %arg9[%add3A_120, %broadcast_in_dim3A_163], %get3A_161 : memref<4096x16xf32, #tpu.memory_space<vmem>>[vector<16xi32>, vector<16xi32>], vector<16xf32>,
        %mul3A_164 = arith.constant 128 : i32
        %mul3A_165 = arith.muli %scan3A_94, %mul3A_164 : i32
        %mul3A_166 = arith.constant 16 : i32
        %mul3A_167 = arith.muli %scan3A_113, %mul3A_166 : i32
        %add3A_168 = arith.addi %mul3A_165, %mul3A_167 : i32
        %get3A_169 = arith.constant 4 : i32
        %get3A_170 = arith.index_cast %get3A_169 : i32 to index
        %get3A_171 = arith.index_cast %add3A_168 : i32 to index
        %get3A_172 = tpu.vector_load %arg8[%get3A_170, %get3A_171] {strides = array<i32>} : memref<12x1024xf32, #tpu.memory_space<vmem>>, vector<16xf32>,
        %broadcast_in_dim3A_173 = arith.constant 4 : i32
        %broadcast_in_dim3A_174 = vector.broadcast %broadcast_in_dim3A_173 : i32 to vector<16xi32>
        tpu.vector_store_idx %arg9[%add3A_120, %broadcast_in_dim3A_174], %get3A_172 : memref<4096x16xf32, #tpu.memory_space<vmem>>[vector<16xi32>, vector<16xi32>], vector<16xf32>,
        %mul3A_175 = arith.constant 128 : i32
        %mul3A_176 = arith.muli %scan3A_94, %mul3A_175 : i32
        %mul3A_177 = arith.constant 16 : i32
        %mul3A_178 = arith.muli %scan3A_113, %mul3A_177 : i32
        %add3A_179 = arith.addi %mul3A_176, %mul3A_178 : i32
        %get3A_180 = arith.constant 5 : i32
        %get3A_181 = arith.index_cast %get3A_180 : i32 to index
        %get3A_182 = arith.index_cast %add3A_179 : i32 to index
        %get3A_183 = tpu.vector_load %arg8[%get3A_181, %get3A_182] {strides = array<i32>} : memref<12x1024xf32, #tpu.memory_space<vmem>>, vector<16xf32>,
        %broadcast_in_dim3A_184 = arith.constant 5 : i32
        %broadcast_in_dim3A_185 = vector.broadcast %broadcast_in_dim3A_184 : i32 to vector<16xi32>
        tpu.vector_store_idx %arg9[%add3A_120, %broadcast_in_dim3A_185], %get3A_183 : memref<4096x16xf32, #tpu.memory_space<vmem>>[vector<16xi32>, vector<16xi32>], vector<16xf32>,
        %mul3A_186 = arith.constant 128 : i32
        %mul3A_187 = arith.muli %scan3A_94, %mul3A_186 : i32
        %mul3A_188 = arith.constant 16 : i32
        %mul3A_189 = arith.muli %scan3A_113, %mul3A_188 : i32
        %add3A_190 = arith.addi %mul3A_187, %mul3A_189 : i32
        %get3A_191 = arith.constant 6 : i32
        %get3A_192 = arith.index_cast %get3A_191 : i32 to index
        %get3A_193 = arith.index_cast %add3A_190 : i32 to index
        %get3A_194 = tpu.vector_load %arg8[%get3A_192, %get3A_193] {strides = array<i32>} : memref<12x1024xf32, #tpu.memory_space<vmem>>, vector<16xf32>,
        %broadcast_in_dim3A_195 = arith.constant 6 : i32
        %broadcast_in_dim3A_196 = vector.broadcast %broadcast_in_dim3A_195 : i32 to vector<16xi32>
        tpu.vector_store_idx %arg9[%add3A_120, %broadcast_in_dim3A_196], %get3A_194 : memref<4096x16xf32, #tpu.memory_space<vmem>>[vector<16xi32>, vector<16xi32>], vector<16xf32>,
        %mul3A_197 = arith.constant 128 : i32
        %mul3A_198 = arith.muli %scan3A_94, %mul3A_197 : i32
        %mul3A_199 = arith.constant 16 : i32
        %mul3A_200 = arith.muli %scan3A_113, %mul3A_199 : i32
        %add3A_201 = arith.addi %mul3A_198, %mul3A_200 : i32
        %get3A_202 = arith.constant 7 : i32
        %get3A_203 = arith.index_cast %get3A_202 : i32 to index
        %get3A_204 = arith.index_cast %add3A_201 : i32 to index
        %get3A_205 = tpu.vector_load %arg8[%get3A_203, %get3A_204] {strides = array<i32>} : memref<12x1024xf32, #tpu.memory_space<vmem>>, vector<16xf32>,
        %broadcast_in_dim3A_206 = arith.constant 7 : i32
        %broadcast_in_dim3A_207 = vector.broadcast %broadcast_in_dim3A_206 : i32 to vector<16xi32>
        tpu.vector_store_idx %arg9[%add3A_120, %broadcast_in_dim3A_207], %get3A_205 : memref<4096x16xf32, #tpu.memory_space<vmem>>[vector<16xi32>, vector<16xi32>], vector<16xf32>,
        %mul3A_208 = arith.constant 128 : i32
        %mul3A_209 = arith.muli %scan3A_94, %mul3A_208 : i32
        %mul3A_210 = arith.constant 16 : i32
        %mul3A_211 = arith.muli %scan3A_113, %mul3A_210 : i32
        %add3A_212 = arith.addi %mul3A_209, %mul3A_211 : i32
        %get3A_213 = arith.constant 8 : i32
        %get3A_214 = arith.index_cast %get3A_213 : i32 to index
        %get3A_215 = arith.index_cast %add3A_212 : i32 to index
        %get3A_216 = tpu.vector_load %arg8[%get3A_214, %get3A_215] {strides = array<i32>} : memref<12x1024xf32, #tpu.memory_space<vmem>>, vector<16xf32>,
        %broadcast_in_dim3A_217 = arith.constant 8 : i32
        %broadcast_in_dim3A_218 = vector.broadcast %broadcast_in_dim3A_217 : i32 to vector<16xi32>
        tpu.vector_store_idx %arg9[%add3A_120, %broadcast_in_dim3A_218], %get3A_216 : memref<4096x16xf32, #tpu.memory_space<vmem>>[vector<16xi32>, vector<16xi32>], vector<16xf32>,
        %mul3A_219 = arith.constant 128 : i32
        %mul3A_220 = arith.muli %scan3A_94, %mul3A_219 : i32
        %mul3A_221 = arith.constant 16 : i32
        %mul3A_222 = arith.muli %scan3A_113, %mul3A_221 : i32
        %add3A_223 = arith.addi %mul3A_220, %mul3A_222 : i32
        %get3A_224 = arith.constant 9 : i32
        %get3A_225 = arith.index_cast %get3A_224 : i32 to index
        %get3A_226 = arith.index_cast %add3A_223 : i32 to index
        %get3A_227 = tpu.vector_load %arg8[%get3A_225, %get3A_226] {strides = array<i32>} : memref<12x1024xf32, #tpu.memory_space<vmem>>, vector<16xf32>,
        %broadcast_in_dim3A_228 = arith.constant 9 : i32
        %broadcast_in_dim3A_229 = vector.broadcast %broadcast_in_dim3A_228 : i32 to vector<16xi32>
        tpu.vector_store_idx %arg9[%add3A_120, %broadcast_in_dim3A_229], %get3A_227 : memref<4096x16xf32, #tpu.memory_space<vmem>>[vector<16xi32>, vector<16xi32>], vector<16xf32>,
        %mul3A_230 = arith.constant 128 : i32
        %mul3A_231 = arith.muli %scan3A_94, %mul3A_230 : i32
        %mul3A_232 = arith.constant 16 : i32
        %mul3A_233 = arith.muli %scan3A_113, %mul3A_232 : i32
        %add3A_234 = arith.addi %mul3A_231, %mul3A_233 : i32
        %get3A_235 = arith.constant 10 : i32
        %get3A_236 = arith.index_cast %get3A_235 : i32 to index
        %get3A_237 = arith.index_cast %add3A_234 : i32 to index
        %get3A_238 = tpu.vector_load %arg8[%get3A_236, %get3A_237] {strides = array<i32>} : memref<12x1024xf32, #tpu.memory_space<vmem>>, vector<16xf32>,
        %broadcast_in_dim3A_239 = arith.constant 10 : i32
        %broadcast_in_dim3A_240 = vector.broadcast %broadcast_in_dim3A_239 : i32 to vector<16xi32>
        tpu.vector_store_idx %arg9[%add3A_120, %broadcast_in_dim3A_240], %get3A_238 : memref<4096x16xf32, #tpu.memory_space<vmem>>[vector<16xi32>, vector<16xi32>], vector<16xf32>,
        %mul3A_241 = arith.constant 128 : i32
        %mul3A_242 = arith.muli %scan3A_94, %mul3A_241 : i32
        %mul3A_243 = arith.constant 16 : i32
        %mul3A_244 = arith.muli %scan3A_113, %mul3A_243 : i32
        %add3A_245 = arith.addi %mul3A_242, %mul3A_244 : i32
        %get3A_246 = arith.constant 11 : i32
        %get3A_247 = arith.index_cast %get3A_246 : i32 to index
        %get3A_248 = arith.index_cast %add3A_245 : i32 to index
        %get3A_249 = tpu.vector_load %arg8[%get3A_247, %get3A_248] {strides = array<i32>} : memref<12x1024xf32, #tpu.memory_space<vmem>>, vector<16xf32>,
        %broadcast_in_dim3A_250 = arith.constant 11 : i32
        %broadcast_in_dim3A_251 = vector.broadcast %broadcast_in_dim3A_250 : i32 to vector<16xi32>
        tpu.vector_store_idx %arg9[%add3A_120, %broadcast_in_dim3A_251], %get3A_249 : memref<4096x16xf32, #tpu.memory_space<vmem>>[vector<16xi32>, vector<16xi32>], vector<16xf32>,
        %broadcast_in_dim3A_252 = arith.constant 12 : i32
        %broadcast_in_dim3A_253 = vector.broadcast %broadcast_in_dim3A_252 : i32 to vector<16xi32>
        tpu.vector_store_idx %arg9[%add3A_120, %broadcast_in_dim3A_253], %broadcast_in_dim3A_10 : memref<4096x16xf32, #tpu.memory_space<vmem>>[vector<16xi32>, vector<16xi32>], vector<16xf32>,
      }
      %scan3A_102 = arith.constant 8 : i32
      %mul3A_103 = arith.constant 128 : i32
      %mul3A_104 = arith.muli %add3A_96, %mul3A_103 : i32
      %dma_start3A_105 = arith.constant 0 : i32
      %dma_start3A_106 = tpu.memref_slice %arg9[%mul3A_104, %dma_start3A_105] : memref<4096x16xf32, #tpu.memory_space<vmem>> -> memref<128x16xf32, #tpu.memory_space<vmem>>
      %dma_start3A_107 = arith.constant 0 : i32
      %dma_start3A_108 = tpu.memref_slice %arg10[%add3A_96, %dma_start3A_107] : memref<32x128xi32, #tpu.memory_space<vmem>> -> memref<1x128xi32, #tpu.memory_space<vmem>>
      %dma_start3A_109 = tpu.memref_squeeze %dma_start3A_108 : memref<1x128xi32, #tpu.memory_space<vmem>> -> memref<128xi32, #tpu.memory_space<vmem>>
      %dma_start3A_110 = arith.constant 0 : i32
      %dma_start3A_111 = arith.constant 0 : i32
      %dma_start3A_112 = tpu.memref_slice %arg13[%dma_start3A_110, %dma_start3A_111] : memref<8192x16xf32, #tpu.memory_space<vmem_shared>> -> memref<8192x16xf32, #tpu.memory_space<vmem_shared>>
      tpu.enqueue_indirect_dma source(%dma_start3A_106 : memref<128x16xf32, #tpu.memory_space<vmem>>) target(%dma_start3A_112 : memref<8192x16xf32, #tpu.memory_space<vmem_shared>>) offsets(%dma_start3A_109 : memref<128xi32, #tpu.memory_space<vmem>>) semaphore(%arg14 : memref<!tpu.dma_semaphore, #tpu.memory_space<semaphore_mem>>) {add = true}
    }
    %scan3A_72 = arith.constant 8 : i32
    %scan3A_73 = arith.constant 0 : i32
    %scan3A_74 = arith.constant 0 : i32
    %scan3A_75 = arith.constant 32 : i32
    %scan3A_76 = arith.addi %scan3A_74, %scan3A_75 : i32
    %scan3A_77 = arith.constant 1 : i32
    scf.for %scan3A_94 = %scan3A_74 to %scan3A_76 step %scan3A_77  : i32 {
      %mul3A_95 = arith.constant 128 : i32
      %mul3A_96 = arith.muli %scan3A_94, %mul3A_95 : i32
      %dma_wait3A_97 = arith.constant 0 : i32
      %dma_wait3A_98 = tpu.memref_slice %arg9[%mul3A_96, %dma_wait3A_97] : memref<4096x16xf32, #tpu.memory_space<vmem>> -> memref<128x16xf32, #tpu.memory_space<vmem>>
      %dma_wait3A_99 = arith.constant 0 : i32
      %dma_wait3A_100 = tpu.memref_slice %arg10[%scan3A_94, %dma_wait3A_99] : memref<32x128xi32, #tpu.memory_space<vmem>> -> memref<1x128xi32, #tpu.memory_space<vmem>>
      %dma_wait3A_101 = tpu.memref_squeeze %dma_wait3A_100 : memref<1x128xi32, #tpu.memory_space<vmem>> -> memref<128xi32, #tpu.memory_space<vmem>>
      %dma_wait3A_102 = arith.constant 0 : i32
      %dma_wait3A_103 = arith.constant 0 : i32
      %dma_wait3A_104 = tpu.memref_slice %arg13[%dma_wait3A_102, %dma_wait3A_103] : memref<8192x16xf32, #tpu.memory_space<vmem_shared>> -> memref<8192x16xf32, #tpu.memory_space<vmem_shared>>
      tpu.wait_indirect_dma semaphore(%arg14 : memref<!tpu.dma_semaphore, #tpu.memory_space<semaphore_mem>>) src(%dma_wait3A_98 : memref<128x16xf32, #tpu.memory_space<vmem>>) dst(%dma_wait3A_104 : memref<8192x16xf32, #tpu.memory_space<vmem_shared>>)
    }
    %scan3A_78 = arith.constant 32 : i32
    %barrier3A_79 = arith.constant 0 : index
    tpu.barrier barrier_id(%barrier3A_79)
    %scan3A_80 = arith.constant 0 : i32
    %scan3A_81 = arith.constant 0 : i32
    %scan3A_82 = arith.constant 4 : i32
    %scan3A_83 = arith.addi %scan3A_81, %scan3A_82 : i32
    %scan3A_84 = arith.constant 1 : i32
    scf.for %scan3A_94 = %scan3A_81 to %scan3A_83 step %scan3A_84  : i32 {
      %mul3A_95 = arith.constant 128 : i32
      %mul3A_96 = arith.muli %scan3A_94, %mul3A_95 : i32
      %dma_start3A_97 = arith.constant 0 : i32
      %dma_start3A_98 = tpu.memref_slice %arg12[%mul3A_96, %dma_start3A_97] : memref<512x16xf32, #tpu.memory_space<vmem>> -> memref<128x16xf32, #tpu.memory_space<vmem>>
      %dma_start3A_99 = arith.constant 0 : i32
      %dma_start3A_100 = tpu.memref_slice %arg11[%scan3A_94, %dma_start3A_99] : memref<4x128xi32, #tpu.memory_space<vmem>> -> memref<1x128xi32, #tpu.memory_space<vmem>>
      %dma_start3A_101 = tpu.memref_squeeze %dma_start3A_100 : memref<1x128xi32, #tpu.memory_space<vmem>> -> memref<128xi32, #tpu.memory_space<vmem>>
      %dma_start3A_102 = arith.constant 0 : i32
      %dma_start3A_103 = arith.constant 0 : i32
      %dma_start3A_104 = tpu.memref_slice %arg13[%dma_start3A_102, %dma_start3A_103] : memref<8192x16xf32, #tpu.memory_space<vmem_shared>> -> memref<8192x16xf32, #tpu.memory_space<vmem_shared>>
      tpu.enqueue_indirect_dma source(%dma_start3A_104 : memref<8192x16xf32, #tpu.memory_space<vmem_shared>>) target(%dma_start3A_98 : memref<128x16xf32, #tpu.memory_space<vmem>>) offsets(%dma_start3A_101 : memref<128xi32, #tpu.memory_space<vmem>>) semaphore(%arg14 : memref<!tpu.dma_semaphore, #tpu.memory_space<semaphore_mem>>)
    }
    %scan3A_85 = arith.constant 4 : i32
    %scan3A_86 = arith.constant 0 : i32
    %scan3A_87 = arith.constant 0 : i32
    %scan3A_88 = arith.constant 4 : i32
    %scan3A_89 = arith.addi %scan3A_87, %scan3A_88 : i32
    %scan3A_90 = arith.constant 1 : i32
    scf.for %scan3A_94 = %scan3A_87 to %scan3A_89 step %scan3A_90  : i32 {
      %mul3A_95 = arith.constant 128 : i32
      %mul3A_96 = arith.muli %scan3A_94, %mul3A_95 : i32
      %dma_wait3A_97 = arith.constant 0 : i32
      %dma_wait3A_98 = tpu.memref_slice %arg12[%mul3A_96, %dma_wait3A_97] : memref<512x16xf32, #tpu.memory_space<vmem>> -> memref<128x16xf32, #tpu.memory_space<vmem>>
      %dma_wait3A_99 = arith.constant 0 : i32
      %dma_wait3A_100 = tpu.memref_slice %arg11[%scan3A_94, %dma_wait3A_99] : memref<4x128xi32, #tpu.memory_space<vmem>> -> memref<1x128xi32, #tpu.memory_space<vmem>>
      %dma_wait3A_101 = tpu.memref_squeeze %dma_wait3A_100 : memref<1x128xi32, #tpu.memory_space<vmem>> -> memref<128xi32, #tpu.memory_space<vmem>>
      %dma_wait3A_102 = arith.constant 0 : i32
      %dma_wait3A_103 = arith.constant 0 : i32
      %dma_wait3A_104 = tpu.memref_slice %arg13[%dma_wait3A_102, %dma_wait3A_103] : memref<8192x16xf32, #tpu.memory_space<vmem_shared>> -> memref<8192x16xf32, #tpu.memory_space<vmem_shared>>
      tpu.wait_indirect_dma semaphore(%arg14 : memref<!tpu.dma_semaphore, #tpu.memory_space<semaphore_mem>>) src(%dma_wait3A_104 : memref<8192x16xf32, #tpu.memory_space<vmem_shared>>) dst(%dma_wait3A_98 : memref<128x16xf32, #tpu.memory_space<vmem>>)
    }
    %scan3A_91 = arith.constant 4 : i32
    %mul3A_92 = arith.constant 512 : i32
    %mul3A_93 = arith.muli %arg1, %mul3A_92 : i32
    "tpu.region"() ({
      %run_scoped3A = tpu.sem_alloc : memref<!tpu.dma_semaphore, #tpu.memory_space<semaphore_mem>>
      %dma_start3A_94 = arith.constant 0 : i32
      %dma_start3A_95 = tpu.memref_slice %arg6[%arg0, %mul3A_93, %dma_start3A_94] : memref<2x8192x16xf32, #tpu.memory_space<hbm>> -> memref<1x512x16xf32, #tpu.memory_space<hbm>>
      %dma_start3A_96 = tpu.memref_squeeze %dma_start3A_95 : memref<1x512x16xf32, #tpu.memory_space<hbm>> -> memref<512x16xf32, #tpu.memory_space<hbm>>
      %dma_start3A_97 = arith.constant 0 : i32
      %dma_start3A_98 = tpu.memref_slice %arg6[%arg0, %mul3A_93, %dma_start3A_97] : memref<2x8192x16xf32, #tpu.memory_space<hbm>> -> memref<1x512x16xf32, #tpu.memory_space<hbm>>
      %dma_start3A_99 = tpu.memref_squeeze %dma_start3A_98 : memref<1x512x16xf32, #tpu.memory_space<hbm>> -> memref<512x16xf32, #tpu.memory_space<hbm>>
      tpu.enqueue_dma source(%arg12 : memref<512x16xf32, #tpu.memory_space<vmem>>) target(%dma_start3A_99 : memref<512x16xf32, #tpu.memory_space<hbm>>) target_semaphore(%run_scoped3A : memref<!tpu.dma_semaphore, #tpu.memory_space<semaphore_mem>>)
      %dma_wait3A_100 = arith.constant 0 : i32
      %dma_wait3A_101 = tpu.memref_slice %arg6[%arg0, %mul3A_93, %dma_wait3A_100] : memref<2x8192x16xf32, #tpu.memory_space<hbm>> -> memref<1x512x16xf32, #tpu.memory_space<hbm>>
      %dma_wait3A_102 = tpu.memref_squeeze %dma_wait3A_101 : memref<1x512x16xf32, #tpu.memory_space<hbm>> -> memref<512x16xf32, #tpu.memory_space<hbm>>
      %dma_wait3A_103 = arith.constant 0 : i32
      %dma_wait3A_104 = tpu.memref_slice %arg6[%arg0, %mul3A_93, %dma_wait3A_103] : memref<2x8192x16xf32, #tpu.memory_space<hbm>> -> memref<1x512x16xf32, #tpu.memory_space<hbm>>
      %dma_wait3A_105 = tpu.memref_squeeze %dma_wait3A_104 : memref<1x512x16xf32, #tpu.memory_space<hbm>> -> memref<512x16xf32, #tpu.memory_space<hbm>>
      tpu.wait_dma2 semaphore(%run_scoped3A : memref<!tpu.dma_semaphore, #tpu.memory_space<semaphore_mem>>) src(%arg12 : memref<512x16xf32, #tpu.memory_space<vmem>>) dst(%dma_wait3A_105 : memref<512x16xf32, #tpu.memory_space<hbm>>)
      tpu.yield
    }) : () -> ()
    return
  }
}

module attributes {stable_mosaic.version = 14 : i64} {
  func.func @_mlp_body(%arg0: i32, %arg1: memref<2x1024x16xf32, #tpu.memory_space<vmem>>, %arg2: memref<16x1024xf32, #tpu.memory_space<vmem>>, %arg3: memref<1024x1024xf32, #tpu.memory_space<vmem>>, %arg4: memref<1x1024xf32, #tpu.memory_space<vmem>>, %arg5: memref<1024x2048xf32, #tpu.memory_space<vmem>>, %arg6: memref<1x2048xf32, #tpu.memory_space<vmem>>, %arg7: memref<1024x1024xf32, #tpu.memory_space<vmem>>, %arg8: memref<1024x1024xf32, #tpu.memory_space<vmem>>) attributes {dimension_semantics = [#tpu.dimension_semantics<arbitrary>], iteration_bounds = array<i64: 8>, scalar_prefetch = 0 : i64, scratch_operands = 0 : i64, tpu.core_type = #tpu.core_type<tc>, window_params = [{transform_indices = @transform_0, window_bounds = array<i64: 2, 1024, 16>}, {pipeline_mode = #tpu.pipeline_mode<synchronous>, transform_indices = @transform_1, window_bounds = array<i64: 16, 1024>}, {pipeline_mode = #tpu.pipeline_mode<synchronous>, transform_indices = @transform_2, window_bounds = array<i64: 1024, 1024>}, {pipeline_mode = #tpu.pipeline_mode<synchronous>, transform_indices = @transform_3, window_bounds = array<i64: 1, 1024>}, {pipeline_mode = #tpu.pipeline_mode<synchronous>, transform_indices = @transform_4, window_bounds = array<i64: 1024, 2048>}, {pipeline_mode = #tpu.pipeline_mode<synchronous>, transform_indices = @transform_5, window_bounds = array<i64: 1, 2048>}, {transform_indices = @transform_6, window_bounds = array<i64: 1024, 1024>}, {transform_indices = @transform_7, window_bounds = array<i64: 1024, 1024>}]} {
    %get3A = arith.constant 0 : index
    %get3A_0 = arith.constant 0 : index
    %get3A_1 = arith.constant 0 : index
    %get3A_2 = vector.load %arg1[%get3A, %get3A_0, %get3A_1] : memref<2x1024x16xf32, #tpu.memory_space<vmem>>, vector<1x1024x16xf32>
    %get3A_3 = vector.shape_cast %get3A_2 : vector<1x1024x16xf32> to vector<1024x16xf32>
    %get3A_4 = arith.constant 1 : index
    %get3A_5 = arith.constant 0 : index
    %get3A_6 = arith.constant 0 : index
    %get3A_7 = vector.load %arg1[%get3A_4, %get3A_5, %get3A_6] : memref<2x1024x16xf32, #tpu.memory_space<vmem>>, vector<1x1024x16xf32>
    %get3A_8 = vector.shape_cast %get3A_7 : vector<1x1024x16xf32> to vector<1024x16xf32>
    %add3A = arith.addf %get3A_3, %get3A_8 : vector<1024x16xf32>
    %slice3A = vector.extract_strided_slice %add3A {offsets = [0, 12], sizes = [1024, 1], strides = [1, 1]} : vector<1024x16xf32> to vector<1024x1xf32>
    %max3A = arith.constant 1.000000e+00 : f32
    %max3A_9 = vector.broadcast %max3A : f32 to vector<1024x1xf32>
    %max3A_10 = arith.maximumf %slice3A, %max3A_9 : vector<1024x1xf32>
    %div3A = vector.broadcast %max3A_10 : vector<1024x1xf32> to vector<1024x16xf32>
    %div3A_11 = arith.divf %add3A, %div3A : vector<1024x16xf32>
    %iota3A = tpu.iota {dimensions = array<i32: 1>} : vector<1x16xi32>
    %lt3A = arith.constant 13 : i32
    %lt3A_12 = vector.broadcast %lt3A : i32 to vector<1x16xi32>
    %lt3A_13 = arith.cmpi slt, %iota3A, %lt3A_12 : vector<1x16xi32>
    %jit3A = arith.constant 0.000000e+00 : f32
    %broadcast_in_dim3A = vector.shape_cast %lt3A_13 : vector<1x16xi1> to vector<1x16xi1>
    %broadcast_in_dim3A_14 = vector.broadcast %broadcast_in_dim3A : vector<1x16xi1> to vector<1024x16xi1>
    %broadcast_in_dim3A_15 = vector.broadcast %jit3A : f32 to vector<1024x16xf32>
    %select_n3A = arith.select %broadcast_in_dim3A_14, %div3A_11, %broadcast_in_dim3A_15 : vector<1024x16xi1>, vector<1024x16xf32>
    %get3A_16 = arith.constant 0 : index
    %get3A_17 = arith.constant 0 : index
    %get3A_18 = vector.load %arg2[%get3A_16, %get3A_17] : memref<16x1024xf32, #tpu.memory_space<vmem>>, vector<16x1024xf32>
    %dot_general3A = arith.constant dense<0.000000e+00> : vector<1024x1024xf32>
    %dot_general3A_19 = tpu.matmul %select_n3A, %get3A_18, %dot_general3A {dimension_numbers = #tpu.dot_dimension_numbers<[1], [0], [0], [1], [0, 0, 1, 1], [], []>, transpose_lhs_hint = false} : vector<1024x16xf32>, vector<16x1024xf32>, vector<1024x1024xf32> -> vector<1024x1024xf32>
    %get3A_20 = arith.constant 0 : index
    %get3A_21 = arith.constant 0 : index
    %get3A_22 = vector.load %arg3[%get3A_20, %get3A_21] : memref<1024x1024xf32, #tpu.memory_space<vmem>>, vector<1024x1024xf32>
    %dot_general3A_23 = arith.constant dense<0.000000e+00> : vector<1024x1024xf32>
    %dot_general3A_24 = tpu.matmul %dot_general3A_19, %get3A_22, %dot_general3A_23 {dimension_numbers = #tpu.dot_dimension_numbers<[1], [0], [0], [1], [0, 0, 1, 1], [], []>, transpose_lhs_hint = false} : vector<1024x1024xf32>, vector<1024x1024xf32>, vector<1024x1024xf32> -> vector<1024x1024xf32>
    %get3A_25 = arith.constant 0 : index
    %get3A_26 = arith.constant 0 : index
    %get3A_27 = vector.load %arg4[%get3A_25, %get3A_26] : memref<1x1024xf32, #tpu.memory_space<vmem>>, vector<1x1024xf32>
    %add3A_28 = vector.broadcast %get3A_27 : vector<1x1024xf32> to vector<1024x1024xf32>
    %add3A_29 = arith.addf %dot_general3A_24, %add3A_28 : vector<1024x1024xf32>
    %gt3A = arith.constant 0.000000e+00 : f32
    %gt3A_30 = vector.broadcast %gt3A : f32 to vector<1024x1024xf32>
    %gt3A_31 = arith.cmpf ogt, %add3A_29, %gt3A_30 : vector<1024x1024xf32>
    %min3A = arith.constant 0.000000e+00 : f32
    %min3A_32 = vector.broadcast %min3A : f32 to vector<1024x1024xf32>
    %min3A_33 = arith.minimumf %add3A_29, %min3A_32 : vector<1024x1024xf32>
    %exp3A = math.exp %min3A_33 : vector<1024x1024xf32>
    %sub3A = arith.constant 1.000000e+00 : f32
    %sub3A_34 = vector.broadcast %sub3A : f32 to vector<1024x1024xf32>
    %sub3A_35 = arith.subf %exp3A, %sub3A_34 : vector<1024x1024xf32>
    %select_n3A_36 = arith.select %gt3A_31, %add3A_29, %sub3A_35 : vector<1024x1024xi1>, vector<1024x1024xf32>
    %get3A_37 = arith.constant 0 : index
    %get3A_38 = arith.constant 0 : index
    %get3A_39 = vector.load %arg5[%get3A_37, %get3A_38] : memref<1024x2048xf32, #tpu.memory_space<vmem>>, vector<1024x1024xf32>
    %dot_general3A_40 = arith.constant dense<0.000000e+00> : vector<1024x1024xf32>
    %dot_general3A_41 = tpu.matmul %select_n3A_36, %get3A_39, %dot_general3A_40 {dimension_numbers = #tpu.dot_dimension_numbers<[1], [0], [0], [1], [0, 0, 1, 1], [], []>, transpose_lhs_hint = false} : vector<1024x1024xf32>, vector<1024x1024xf32>, vector<1024x1024xf32> -> vector<1024x1024xf32>
    %get3A_42 = arith.constant 0 : index
    %get3A_43 = arith.constant 0 : index
    %get3A_44 = vector.load %arg6[%get3A_42, %get3A_43] : memref<1x2048xf32, #tpu.memory_space<vmem>>, vector<1x1024xf32>
    %add3A_45 = vector.broadcast %get3A_44 : vector<1x1024xf32> to vector<1024x1024xf32>
    %add3A_46 = arith.addf %dot_general3A_41, %add3A_45 : vector<1024x1024xf32>
    %swap3A = arith.constant 0 : index
    %swap3A_47 = arith.constant 0 : index
    %swap3A_48 = vector.load %arg7[%swap3A, %swap3A_47] : memref<1024x1024xf32, #tpu.memory_space<vmem>>, vector<1024x1024xf32>
    tpu.vector_store %arg7[%swap3A, %swap3A_47], %add3A_46 {strides = array<i32>} : memref<1024x1024xf32, #tpu.memory_space<vmem>>, vector<1024x1024xf32>,
    %get3A_49 = arith.constant 0 : index
    %get3A_50 = arith.constant 1024 : index
    %get3A_51 = vector.load %arg5[%get3A_49, %get3A_50] : memref<1024x2048xf32, #tpu.memory_space<vmem>>, vector<1024x1024xf32>
    %dot_general3A_52 = arith.constant dense<0.000000e+00> : vector<1024x1024xf32>
    %dot_general3A_53 = tpu.matmul %select_n3A_36, %get3A_51, %dot_general3A_52 {dimension_numbers = #tpu.dot_dimension_numbers<[1], [0], [0], [1], [0, 0, 1, 1], [], []>, transpose_lhs_hint = false} : vector<1024x1024xf32>, vector<1024x1024xf32>, vector<1024x1024xf32> -> vector<1024x1024xf32>
    %get3A_54 = arith.constant 0 : index
    %get3A_55 = arith.constant 1024 : index
    %get3A_56 = vector.load %arg6[%get3A_54, %get3A_55] : memref<1x2048xf32, #tpu.memory_space<vmem>>, vector<1x1024xf32>
    %add3A_57 = vector.broadcast %get3A_56 : vector<1x1024xf32> to vector<1024x1024xf32>
    %add3A_58 = arith.addf %dot_general3A_53, %add3A_57 : vector<1024x1024xf32>
    %swap3A_59 = arith.constant 0 : index
    %swap3A_60 = arith.constant 0 : index
    %swap3A_61 = vector.load %arg8[%swap3A_59, %swap3A_60] : memref<1024x1024xf32, #tpu.memory_space<vmem>>, vector<1024x1024xf32>
    tpu.vector_store %arg8[%swap3A_59, %swap3A_60], %add3A_58 {strides = array<i32>} : memref<1024x1024xf32, #tpu.memory_space<vmem>>, vector<1024x1024xf32>,
    return
  }
  func.func @transform_0(%arg0: i32) -> (i32, i32, i32) {
    %c0_i32 = arith.constant 0 : i32
    %c0_i32_0 = arith.constant 0 : i32
    %c0_i32_1 = arith.constant 0 : i32
    return %c0_i32, %arg0, %c0_i32_0 : i32, i32, i32
  }
  func.func @transform_1(%arg0: i32) -> (i32, i32) {
    %c0_i32 = arith.constant 0 : i32
    %c0_i32_0 = arith.constant 0 : i32
    %c0_i32_1 = arith.constant 0 : i32
    return %c0_i32, %c0_i32_0 : i32, i32
  }
  func.func @transform_2(%arg0: i32) -> (i32, i32) {
    %c0_i32 = arith.constant 0 : i32
    %c0_i32_0 = arith.constant 0 : i32
    %c0_i32_1 = arith.constant 0 : i32
    return %c0_i32, %c0_i32_0 : i32, i32
  }
  func.func @transform_3(%arg0: i32) -> (i32, i32) {
    %c0_i32 = arith.constant 0 : i32
    %c0_i32_0 = arith.constant 0 : i32
    %c0_i32_1 = arith.constant 0 : i32
    return %c0_i32, %c0_i32_0 : i32, i32
  }
  func.func @transform_4(%arg0: i32) -> (i32, i32) {
    %c0_i32 = arith.constant 0 : i32
    %c0_i32_0 = arith.constant 0 : i32
    %c0_i32_1 = arith.constant 0 : i32
    return %c0_i32, %c0_i32_0 : i32, i32
  }
  func.func @transform_5(%arg0: i32) -> (i32, i32) {
    %c0_i32 = arith.constant 0 : i32
    %c0_i32_0 = arith.constant 0 : i32
    %c0_i32_1 = arith.constant 0 : i32
    return %c0_i32, %c0_i32_0 : i32, i32
  }
  func.func @transform_6(%arg0: i32) -> (i32, i32) {
    %c0_i32 = arith.constant 0 : i32
    %c0_i32_0 = arith.constant 0 : i32
    return %arg0, %c0_i32 : i32, i32
  }
  func.func @transform_7(%arg0: i32) -> (i32, i32) {
    %c0_i32 = arith.constant 0 : i32
    %c0_i32_0 = arith.constant 0 : i32
    return %arg0, %c0_i32 : i32, i32
  }
}

</mosaic_0001>

<sc_bundles>
// kernel: kernel.4.cloned.1.call-start
scs
__scs_entry_jumppad:
0x0: {  	(pc) =	sbr.rel $0x88, $3  }
0x1: {  	(tag) =	ssettag $0x0;
	lr =	simm.s32 $0x1  }
0x2: {  	[smem:$0x3F99] =	sst lr;
	_ =	strace $0xD0000000  }
0x3: {  	_ = 	snop  }
0x4: {  	_ = 	snop  }
0x5: {  	_ = 	snop  }
0x6: {  	_ = 	snop  }
0x7: {  	_ = 	snop  }
__scs_overlays_trampoline_lowered:
0x8: {  	[smem:$0x3FA8] =	sst s0  }
0x9: {  	[smem:$0x3FA9] =	sst s1  }
0xa: {  	[smem:$0x3FAA] =	sst s2  }
0xb: {  	[smem:$0x3FAB] =	sst s3  }
0xc: {  	[smem:$0x3FAC] =	sst s4  }
0xd: {  	[smem:$0x3FAD] =	sst s5  }
0xe: {  	[smem:$0x3FAE] =	sst s6  }
0xf: {  	[smem:$0x3FAF] =	sst s7  }
0x10: {  	[smem:$0x3FB0] =	sst s8  }
0x11: {  	[smem:$0x3FB1] =	sst s9;
	s0 =	simm.s32 @!p0 $0x0  }
0x12: {  	s1 =	sld [smem:$0x3F97];
	s0 =	simm.s32 @p0 $0x1  }
0x13: {  	[smem:$0x3FB2] =	sst s0;
	s0 =	simm.s32 @!p1 $0x0  }
0x14: {  	s2 =	sld [smem:$0x3F96];
	s0 =	simm.s32 @p1 $0x1  }
0x15: {  	[smem:$0x3FB3] =	sst s0;
	s0 =	simm.s32 @!p2 $0x0  }
0x16: {  	s3 =	sld [smem:$0x3FDB];
	s0 =	simm.s32 @p2 $0x1  }
0x17: {  	s4 =	simm.s32 $0x1BF5;
	[smem:$0x3FB5] =	sst s0  }
0x18: {  	s0 =	sld [smem:$0x3F98];
	_ =	swait.ge [sflag:s4], $0x0  }
0x19: {  	s7 =	sld [smem:$0x3F99]  }
0x1a: {  	s8 =	sadd.s32 $0xFFFFE003, lr  }
0x1b: {  	s9 =	sadd.s32 $0xFFFFFEF7, lr;
	s5 =	simm.s32 $0xFFFFFFFF;
	p2 =	slt.u32 s8, $0xFFFFF086  }
0x1c: {  	p1 =	slt.u32 s9, $0xF7A;
	s5 =	simm.s32 @!p2 $0x0  }
0x1d: {  	s5 =	simm.s32 @p1 $0x1;
	p0 =	seq.s32 s7, s2  }
0x1e: {  	s7 =	smul.u32 @!p0 $0xF7A, s2;
	p2 =	seq.s32 @!p0 s5, $0x0  }
0x1f: {  	s9 =	smul.u32 $0xF7A, s1;
	s8 =	simm.s32 @!p0 $0x1BF5;
	p2 =	por !p2, p0  }
0x20: {  	[sflag:s8] =	ssyncset.s32 @!p0 $0xFFFFF086;
	s6 =	sadd.s32 @!p0 s3, s7;
	s7 =	simm.s32 @!p0 $0x108  }
0x21: {  	s3 =	sadd.s32 s3, s9;
	s6 =	sadd.s32 @!p0 $0x88, s6;
	s7 =	simm.s32 @p2 $0x1082  }
0x22: {  	[simem:s7], [sflag:s8] =	dma.local @!p0 [hbm:s6], $0xF7A  }
0x23: {  	s9 =	sor.u32 $0xD0000000, s2;
	s6 =	simm.s32 $0x108;
	_ =	swait.ge @!p0 [sflag:s8], $0x0  }
0x24: {  	s3 =	sadd.s32 $0x88, s3;
	s6 =	simm.s32 @!p1 $0x1082;
	[sflag:s4] =	ssyncset.s32 $0xFFFFF086  }
0x25: {  	[simem:s6], [sflag:s4] =	dma.local [hbm:s3], $0xF7A  }
0x26: {  	[smem:$0x3F99] =	sst s1;
	(tag) =	ssettag s2;
	_ =	strace s9  }
0x27: {  	s1 =	sld [smem:$0x3FA9]  }
0x28: {  	s2 =	sld [smem:$0x3FAA]  }
0x29: {  	s4 =	sld [smem:$0x3FAC]  }
0x2a: {  	p0 =	seq.s32 s5, $0x0;
	s5 =	sld [smem:$0x3FAD]  }
0x2b: {  	s6 =	sld [smem:$0x3FAE]  }
0x2c: {  	s7 =	sld [smem:$0x3FAF]  }
0x2d: {  	s3 =	simm.s32 $0x108;
	s8 =	sld [smem:$0x3FB0]  }
0x2e: {  	s3 =	simm.s32 @!p0 $0x1082;
	s9 =	sld [smem:$0x3FB1]  }
0x2f: {  	lr =	sadd.s32 s0, s3;
	s0 =	sld [smem:$0x3FA8]  }
0x30: {  	s3 =	sld [smem:$0x3FAB]  }
0x31: {  	[smem:$0x3FB4] =	sst s10  }
0x32: {  	s10 =	sld [smem:$0x3FB2];
	_ =	sdelay $0x3  }
0x33: {  	p0 =	seq.s32 s10, $0x1;
	s10 =	sld [smem:$0x3FB4];
	_ =	sdelay $0x3  }
0x34: {  	[smem:$0x3FB4] =	sst s10  }
0x35: {  	s10 =	sld [smem:$0x3FB3];
	_ =	sdelay $0x3  }
0x36: {  	p1 =	seq.s32 s10, $0x1;
	s10 =	sld [smem:$0x3FB4];
	_ =	sdelay $0x3  }
0x37: {  	[smem:$0x3FB4] =	sst s10  }
0x38: {  	s10 =	sld [smem:$0x3FB5]  }
0x39: {  	_ = 	snop;
	(pc) =	sbr.ind lr, $3  }
0x3a: {  	_ = 	snop  }
0x3b: {  	_ = 	snop  }
0x3c: {  	p2 =	seq.s32 s10, $0x1;
	s10 =	sld [smem:$0x3FB4]  }
0x3d: {  	_ =	shalt  }
0x3e: {  	_ =	shalt  }
0x3f: {  	_ =	shalt  }
0x40: {  	_ =	shalt  }
0x41: {  	_ =	shalt  }
0x42: {  	_ =	shalt  }
0x43: {  	_ =	shalt  }
0x44: {  	_ =	shalt  }
0x45: {  	_ =	shalt  }
0x46: {  	_ =	shalt  }
0x47: {  	_ =	shalt  }
0x48: {  	_ =	shalt  }
0x49: {  	_ =	shalt  }
0x4a: {  	_ =	shalt  }
0x4b: {  	_ =	shalt  }
0x4c: {  	_ =	shalt  }
0x4d: {  	_ =	shalt  }
0x4e: {  	_ =	shalt  }
0x4f: {  	_ =	shalt  }
0x50: {  	_ =	shalt  }
0x51: {  	_ =	shalt  }
0x52: {  	_ =	shalt  }
0x53: {  	_ =	shalt  }
0x54: {  	_ =	shalt  }
0x55: {  	_ =	shalt  }
0x56: {  	_ =	shalt  }
0x57: {  	_ =	shalt  }
0x58: {  	_ =	shalt  }
0x59: {  	_ =	shalt  }
0x5a: {  	_ =	shalt  }
0x5b: {  	_ =	shalt  }
0x5c: {  	_ =	shalt  }
0x5d: {  	_ =	shalt  }
0x5e: {  	_ =	shalt  }
0x5f: {  	_ =	shalt  }
0x60: {  	_ =	shalt  }
0x61: {  	_ =	shalt  }
0x62: {  	_ =	shalt  }
0x63: {  	_ =	shalt  }
0x64: {  	_ =	shalt  }
0x65: {  	_ =	shalt  }
0x66: {  	_ =	shalt  }
0x67: {  	_ =	shalt  }
0x68: {  	_ =	shalt  }
0x69: {  	_ =	shalt  }
0x6a: {  	_ =	shalt  }
0x6b: {  	_ =	shalt  }
0x6c: {  	_ =	shalt  }
0x6d: {  	_ =	shalt  }
0x6e: {  	_ =	shalt  }
0x6f: {  	_ =	shalt  }
0x70: {  	_ =	shalt  }
0x71: {  	_ =	shalt  }
0x72: {  	_ =	shalt  }
0x73: {  	_ =	shalt  }
0x74: {  	_ =	shalt  }
0x75: {  	_ =	shalt  }
0x76: {  	_ =	shalt  }
0x77: {  	_ =	shalt  }
0x78: {  	_ =	shalt  }
0x79: {  	_ =	shalt  }
0x7a: {  	_ =	shalt  }
0x7b: {  	_ =	shalt  }
0x7c: {  	_ =	shalt  }
0x7d: {  	_ =	shalt  }
0x7e: {  	_ =	shalt  }
0x7f: {  	_ =	shalt  }
0x80: {  	_ =	shalt  }
0x81: {  	_ =	shalt  }
0x82: {  	_ =	shalt  }
0x83: {  	_ =	shalt  }
0x84: {  	_ =	shalt  }
0x85: {  	_ =	shalt  }
0x86: {  	_ =	shalt  }
0x87: {  	_ =	shalt  }
.Lfunc_end0:
.L_simem_size_0:
called_computation_lowered:
.L_overlay_start_0:
0x88: {  	s2 =	sld [smem:$0x3FD9]  }
0x89: {  	s3 =	sld [smem:$0x3FFE];
	_ =	sdelay $0x1  }
0x8a: {  	s1 =	srdreg.scid  }
0x8b: {  	s0 =	sand.u32 $0x1, s1  }
0x8c: {  	s14 =	sshll.u32 s0, $0xA;
	s2 =	sadd.s32 s3, s2  }
0x8d: {  	s2 =	sadd.s32 s2, s14  }
0x8e: {  	[smem:$0x3FC0] =	sst s2  }
0x8f: {  	_ = 	snop  }
0x90: {  	s2 =	sld [smem:$0x3FD0];
	_ =	sdelay $0x1  }
0x91: {  	s15 =	sld [smem:$0x3FC8]  }
0x92: {  	s5 =	simm.s32 $0xA;
	s6 =	simm.s32 $0x10;
	s4 =	sld [smem:$0x3FC7]  }
0x93: {  	[smem:s6], [sflag:s5] =	dma.local [hbm:s2], $0x1  }
0x94: {  	_ =	swait.eq [sflag:s5], $0x1  }
0x95: {  	[sflag:s5] =	ssyncset.done $0x0  }
0x96: {  	s16 =	sld [smem:$0x10];
	[sflag:s5] =	ssyncadd.s32 $0xFFFFFFFF  }
0x97: {  	s17 =	sld [smem:$0x11];
	(tm) =	ssettm $0x1  }
0x98: {  	s18 =	sld [smem:$0x3FFB];
	_ =	sdelay $0x3  }
0x99: {  	_ =	strace s18  }
0x9a: {  	s6 =	sld [smem:$0x3FFC];
	_ =	sdelay $0x3  }
0x9b: {  	_ =	strace s6  }
0x9c: {  	s6 =	sld [smem:$0x3FFD];
	_ =	sdelay $0x3  }
0x9d: {  	_ =	strace s6  }
0x9e: {  	_ =	strace $0x8FFFFFFF  }
0x9f: {  	s19 =	sld [smem:$0x3FDB];
	_ =	sdelay $0x1  }
0xa0: {  	s7 =	simm.s32 $_scs_section_size  }
0xa1: {  	s8 =	simm.s32 $_size__tile_overlayer_lowered;
	s9 =	simm.s32 $_tile_overlayer_lowered  }
0xa2: {  	s22 =	simm.s32 $0x1BFF;
	s21 =	sshll.u32 s9, $0x1;
	s6 =	sadd.s32 s7, s19  }
0xa3: {  	s10 =	simm.s32 $0x0;
	s20 =	sshll.u32 s8, $0x1;
	s8 =	sadd.s32 s21, s6  }
0xa4: {  	[timem:s10], [sflag:s22] =	dma.local [hbm:s8], s20  }
0xa5: {  	_ =	swait.ge [sflag:s22], s20  }
0xa6: {  	s7 =	ssub.s32 $0x0, s20;
	[sflag:s22] =	ssyncset.done $0x0  }
0xa7: {  	[sflag:s22] =	ssyncadd.s32 s7;
	_ =	sdelay $0x1  }
0xa8: {  	s23 =	simm.s32 $0x1B8B  }
0xa9: {  	_ =	swait.ge [sflag:s23], $0x1  }
0xaa: {  	[sflag:s23] =	ssyncset.done $0x0  }
0xab: {  	s25 =	simm.s32 $0x1B8E;
	s24 =	sld [smem:$0x3FFE];
	[sflag:s23] =	ssyncadd.s32 $0xFFFFFFFF  }
0xac: {  	s26 =	simm.s32 $execute0_lowered;
	[smem:$0x3FD2] =	sst s25  }
0xad: {  	s8 =	sshll.u32 s26, $0x1;
	_ =	strace $0x80000046;
	[dreg:$0x1] =	wrdreg $0xFFFFFFFF  }
0xae: {  	s28 =	simm.s32 $_size_execute0_lowered;
	s6 =	sadd.s32 s6, s8;
	[dreg:$0x0] =	wrdreg $0x0  }
0xaf: {  	s8 =	sshll.u32 s28, $0x1;
	[dreg:$0x2] =	wrdreg s6  }
0xb0: {  	[dreg:$0x3] =	wrdreg s8  }
0xb1: {  	[dreg:$0x4] =	wrdreg $0xC0  }
0xb2: {  	_ =	task [dreg:s10], $0x5FFFF  }
0xb3: {  	[dreg:$0x1] =	wrdreg $0xFFFFFFFF  }
0xb4: {  	[dreg:$0x0] =	wrdreg $0x60  }
0xb5: {  	[dreg:$0x2] =	wrdreg s17  }
0xb6: {  	[dreg:$0x3] =	wrdreg s15  }
0xb7: {  	[dreg:$0x4] =	wrdreg s4  }
0xb8: {  	[dreg:$0x5] =	wrdreg s24  }
0xb9: {  	[dreg:$0x6] =	wrdreg s16  }
0xba: {  	[dreg:$0x7] =	wrdreg $0x192000  }
0xbb: {  	[dreg:$0x8] =	wrdreg $0x9  }
0xbc: {  	_ =	task.clear_ibuf [dreg:s10], $0x9FFFF;
	_ =	strace $0x90000046  }
0xbd: {  	s29 =	simm.s32 $0x9;
	_ =	strace $0x80000048  }
0xbe: {  	_ =	swait.ge [sflag:s29], $0x1  }
0xbf: {  	[sflag:s29] =	ssyncadd.s32 $0xFFFFFFFF  }
0xc0: {  	_ =	strace $0x90000048  }
0xc1: {  	_ =	sfence  }
0xc2: {  	s30 =	sld [smem:$0x0];
	_ =	sdelay $0x2  }
0xc3: {  	s31 =	sshll.u32 s1, $0xD;
	s1 =	sshrl.u32 s1, $0x2  }
0xc4: {  	s3 =	sand.u32 $0x4000, s31;
	s1 =	sadd.s32 s1, s30  }
0xc5: {  	s0 =	sor.u32 s3, s0;
	s1 =	sshll.u32 s1, $0x11  }
0xc6: {  	s0 =	sor.u32 s1, s0  }
0xc7: {  	s0 =	sadd.s32 $0x8F2B, s0  }
0xc8: {  	[sflag:s0] =	ssyncadd.remote.s32 $0x1  }
0xc9: {  	_ =	sfence.sel $0xFFFF  }
0xca: {  	[dreg:$0x0] =	wrdreg $0xFFFFFFFF;
	(pc) =	sbr.abs _section_cstart, $3  }
0xcb: {  	[dreg:$0x1] =	wrdreg $0xFFFFFFFF  }
0xcc: {  	_ =	task.clear_ibuf [dreg:s10], $0x2FFFF;
	_ =	strace $0x9FFFFFFF  }
0xcd: {  	(tm) =	ssettm $0x7FFFFFFF  }
tec
execute0_lowered:
.L_overlay_start_1:
0x0: {  	(tag) =	ssettag $0x1  }
0x1: {  	s0 =	rddreg [dreg:$0x0]  }
0x2: {  	s1 =	rddreg [dreg:$0x1]  }
0x3: {  	s6 =	rddreg [dreg:$0x2]  }
0x4: {  	s4 =	rddreg [dreg:$0x3]  }
0x5: {  	s11 =	rddreg [dreg:$0x4]  }
0x6: {  	s2 =	rddreg [dreg:$0x5]  }
0x7: {  	s3 =	simm.s32 $0x0;
	s13 =	stileid.u32;
	s5 =	srdreg.scid  }
0x8: {  	s14 =	simm.s32 $0x20000;
	s16 =	simm.s32 $0x3;
	s17 =	simm.s32 $0x17000  }
0x9: {  	s20 =	simm.s32 $0x2;
	s21 =	simm.s32 $0x3000;
	s22 =	simm.s32 $0x6000  }
0xa: {  	s23 =	simm.s32 $0x80;
	s24 =	simm.s32 $0x1;
	s25 =	simm.s32 $0x17200  }
0xb: {  	[smem:$0x7FF] =	sst s3;
	s7 =	sshll.u32 s13, $0xA;
	s8 =	sand.u32 $0x1, s5  }
0xc: {  	s10 =	sshll.u32 s13, $0x9;
	s30 =	sshll.u32 s13, $0x6;
	s31 =	sshll.u32 s13, $0xD  }
0xd: {  	s13 =	simm.s32 $0x400;
	_ =	strace $0x80000047;
	s5 =	ssub.s32 $0x2, s8  }
0xe: {  	s9 =	sshll.u32 s8, $0xD;
	s7 =	sadd.s32 s7, s4;
	s8 =	sshll.u32 s8, $0x11  }
0xf: {  	s6 =	sadd.s32 s6, s30;
	s15 =	sadd.s32 s31, s2;
	s18 =	sor.u32 $0x1C03, s30  }
0x10: {  	s29 =	sshrl.u32 s5, $0x1;
	s9 =	sor.u32 s10, s9;
	s7 =	sadd.s32 $0x1400, s7  }
0x11: {  	s19 =	sshrl.u32 s15, $0x3;
	s12 =	ssub.s32 s5, s29;
	s4 =	sadd.s32 s0, s9  }
0x12: {  	s5 =	sadd.s32 s1, s9;
	s1 =	sor.u32 s31, s8;
	s8 =	sadd.s32 $0x80, s4  }
0x13: {  	v0 =	vlaneseq.u32;
	s1 =	sshrl.u32 s1, $0x3;
	s9 =	sadd.s32 $0x100, s4;
	s10 =	sadd.s32 $0x180, s4  }
0x14: {  	v1 =	vimm.f32 $1.000000000e+00;
	v0 =	vmul.u32 $0x10, v0;
	s12 =	smax.u32 s12, $0x1;
	s11 =	sadd.s32 s11, s1;
	s1 =	simm.s32 $0x0  }
.LBB2_1:
0x15: {  	[tilespmem:s3], [sflag:$0x2] =	stream.strided.gather [hbm4b:s4+s13], $0x3000, s14, s13, $0x38;
	[tilespmem:$0x1B200] =	vst v63  }
0x16: {  	s0 =	simm.s32 $0x16000  }
0x17: {  	[tilespmem:s0], [sflag:$0x3] =	stream.linear.gather [hbm4b:s5+s3], $0x1000, $0x38;
	[tilespmem:$0x1B200] =	vst v63  }
0x18: {  	_ =	swait.ge [sflag:s16], $0x1000  }
0x19: {  	[sflag:s16] =	ssyncset.done $0x0  }
0x1a: {  	[sflag:s16] =	ssyncadd.s32 $0xFFFFF000  }
0x1b: {  	[tilespmem:s17], [sflag:$0x3] =	stream.linear.gather [hbm4b:s6+s3], $0x200, $0x38;
	[tilespmem:$0x1B200] =	vst v63  }
0x1c: {  	_ =	swait.ge [sflag:s16], $0x200  }
0x1d: {  	[sflag:s16] =	ssyncset.done $0x0  }
0x1e: {  	[sflag:s16] =	ssyncadd.s32 $0xFFFFFE00  }
0x1f: {  	[spmem:s19], [sflag:s18] =	dma.local [hbm:s7], $0x400  }
0x20: {  	_ =	swait.ge [sflag:s16], $0x400  }
0x21: {  	[sflag:s16] =	ssyncset.done $0x0  }
0x22: {  	[sflag:s16] =	ssyncadd.s32 $0xFFFFFC00  }
0x23: {  	[bflag:$0x0] =	sbarrier.arrive $0xFFFF  }
0x24: {  	_ =	swait.ge [sflag:s20], $0x3000  }
0x25: {  	s15 =	simm.s32 $0x1800;
	[sflag:s20] =	ssyncset.done $0x0  }
0x26: {  	s26 =	simm.s32 $0x0;
	s28 =	simm.s32 $0x0;
	[sflag:s20] =	ssyncadd.s32 $0xFFFFD000  }
0x27: {  	[tilespmem:s21], [sflag:$0x2] =	stream.strided.gather [hbm4b:s8+s13], $0x3000, s14, s13, $0x38;
	[tilespmem:$0x1B200] =	vst v63  }
.LBB2_2:
0x28: {  	s29 =	sadd.s32 $0x0, s26  }
0x29: {  	v2 =	vmov s29  }
0x2a: {  	v2 =	vshll.u32 v2, $0x4  }
0x2b: {  	v3 =	vld [tilespmem:s15+$0xFFFFE800];
	v2 =	vor.u32 v0, v2;
	_ =	sdelay $0x4  }
0x2c: {  	[tilespmem:v2+s22+$0x0] =	vst.idx.msk $0xffff, v3  }
0x2d: {  	v4 =	vor.u32 $0x1, v2;
	v3 =	vld [tilespmem:s15+$0xFFFFEC00];
	_ =	sdelay $0x4  }
0x2e: {  	[tilespmem:v4+s22+$0x0] =	vst.idx.msk $0xffff, v3  }
0x2f: {  	v4 =	vor.u32 $0x2, v2;
	v3 =	vld [tilespmem:s15+$0xFFFFF000];
	_ =	sdelay $0x4  }
0x30: {  	[tilespmem:v4+s22+$0x0] =	vst.idx.msk $0xffff, v3  }
0x31: {  	v4 =	vor.u32 $0x3, v2;
	v3 =	vld [tilespmem:s15+$0xFFFFF400];
	_ =	sdelay $0x4  }
0x32: {  	[tilespmem:v4+s22+$0x0] =	vst.idx.msk $0xffff, v3  }
0x33: {  	v4 =	vor.u32 $0x4, v2;
	v3 =	vld [tilespmem:s15+$0xFFFFF800];
	_ =	sdelay $0x4  }
0x34: {  	[tilespmem:v4+s22+$0x0] =	vst.idx.msk $0xffff, v3  }
0x35: {  	v4 =	vor.u32 $0x5, v2;
	v3 =	vld [tilespmem:s15+$0xFFFFFC00];
	_ =	sdelay $0x4  }
0x36: {  	[tilespmem:v4+s22+$0x0] =	vst.idx.msk $0xffff, v3  }
0x37: {  	v4 =	vor.u32 $0x6, v2;
	v3 =	vld [tilespmem:s15+$0x0];
	_ =	sdelay $0x4  }
0x38: {  	[tilespmem:v4+s22+$0x0] =	vst.idx.msk $0xffff, v3  }
0x39: {  	v4 =	vor.u32 $0x7, v2;
	v3 =	vld [tilespmem:s15+$0x400];
	_ =	sdelay $0x4  }
0x3a: {  	[tilespmem:v4+s22+$0x0] =	vst.idx.msk $0xffff, v3  }
0x3b: {  	v4 =	vor.u32 $0x8, v2;
	v3 =	vld [tilespmem:s15+$0x800];
	_ =	sdelay $0x4  }
0x3c: {  	[tilespmem:v4+s22+$0x0] =	vst.idx.msk $0xffff, v3  }
0x3d: {  	v4 =	vor.u32 $0x9, v2;
	v3 =	vld [tilespmem:s15+$0xC00];
	_ =	sdelay $0x4  }
0x3e: {  	[tilespmem:v4+s22+$0x0] =	vst.idx.msk $0xffff, v3  }
0x3f: {  	v4 =	vor.u32 $0xA, v2;
	v3 =	vld [tilespmem:s15+$0x1000];
	_ =	sdelay $0x4  }
0x40: {  	[tilespmem:v4+s22+$0x0] =	vst.idx.msk $0xffff, v3  }
0x41: {  	v5 =	vor.u32 $0xB, v2;
	v4 =	vld [tilespmem:s15+$0x1400]  }
0x42: {  	v2 =	vor.u32 $0xC, v2;
	_ =	sdelay $0x2  }
0x43: {  	s29 =	sadd.s32 $0x10, s26  }
0x44: {  	s30 =	simm.s32 $0x20;
	v3 =	vmov s29;
	s29 =	smov.u32 s15;
	[tilespmem:v5+s22+$0x0] =	vst.idx.msk $0xffff, v4  }
.LBB2_3:
0x45: {  	p0 =	sne.s32 s30, $0x70;
	v3 =	vshll.u32 v3, $0x4;
	[tilespmem:v2+s22+$0x0] =	vst.idx.msk $0xffff, v1;
	s29 =	sadd.s32 $0x10, s29  }
0x46: {  	v2 =	vld [tilespmem:s29+$0xFFFFE800];
	v3 =	vor.u32 v0, v3;
	_ =	sdelay $0x4  }
0x47: {  	[tilespmem:v3+s22+$0x0] =	vst.idx.msk $0xffff, v2  }
0x48: {  	v4 =	vor.u32 $0x1, v3;
	v2 =	vld [tilespmem:s29+$0xFFFFEC00];
	_ =	sdelay $0x4  }
0x49: {  	[tilespmem:v4+s22+$0x0] =	vst.idx.msk $0xffff, v2  }
0x4a: {  	v4 =	vor.u32 $0x2, v3;
	v2 =	vld [tilespmem:s29+$0xFFFFF000];
	_ =	sdelay $0x4  }
0x4b: {  	[tilespmem:v4+s22+$0x0] =	vst.idx.msk $0xffff, v2  }
0x4c: {  	v4 =	vor.u32 $0x3, v3;
	v2 =	vld [tilespmem:s29+$0xFFFFF400];
	_ =	sdelay $0x4  }
0x4d: {  	[tilespmem:v4+s22+$0x0] =	vst.idx.msk $0xffff, v2  }
0x4e: {  	v4 =	vor.u32 $0x4, v3;
	v2 =	vld [tilespmem:s29+$0xFFFFF800];
	_ =	sdelay $0x4  }
0x4f: {  	[tilespmem:v4+s22+$0x0] =	vst.idx.msk $0xffff, v2  }
0x50: {  	v4 =	vor.u32 $0x5, v3;
	v2 =	vld [tilespmem:s29+$0xFFFFFC00];
	_ =	sdelay $0x4  }
0x51: {  	[tilespmem:v4+s22+$0x0] =	vst.idx.msk $0xffff, v2  }
0x52: {  	v4 =	vor.u32 $0x6, v3;
	v2 =	vld [tilespmem:s29+$0x0];
	_ =	sdelay $0x4  }
0x53: {  	[tilespmem:v4+s22+$0x0] =	vst.idx.msk $0xffff, v2  }
0x54: {  	v4 =	vor.u32 $0x7, v3;
	v2 =	vld [tilespmem:s29+$0x400];
	_ =	sdelay $0x4  }
0x55: {  	[tilespmem:v4+s22+$0x0] =	vst.idx.msk $0xffff, v2  }
0x56: {  	v4 =	vor.u32 $0x8, v3;
	v2 =	vld [tilespmem:s29+$0x800];
	_ =	sdelay $0x4  }
0x57: {  	[tilespmem:v4+s22+$0x0] =	vst.idx.msk $0xffff, v2  }
0x58: {  	v4 =	vor.u32 $0x9, v3;
	v2 =	vld [tilespmem:s29+$0xC00];
	_ =	sdelay $0x4  }
0x59: {  	[tilespmem:v4+s22+$0x0] =	vst.idx.msk $0xffff, v2  }
0x5a: {  	v4 =	vor.u32 $0xA, v3;
	v2 =	vld [tilespmem:s29+$0x1000];
	_ =	sdelay $0x4  }
0x5b: {  	[tilespmem:v4+s22+$0x0] =	vst.idx.msk $0xffff, v2  }
0x5c: {  	v5 =	vor.u32 $0xB, v3;
	v4 =	vld [tilespmem:s29+$0x1400]  }
.Ltmp0:
0x5d: {  	v2 =	vor.u32 $0xC, v3;
	(pc) =	sbr.rel @p0 .LBB2_3-.Ltmp0, $3  }
0x5e: {  	_ =	sdelay $0x1  }
0x5f: {  	s31 =	sadd.s32 s30, s26  }
0x60: {  	s30 =	sadd.s32 $0x10, s30;
	v3 =	vmov s31;
	[tilespmem:v5+s22+$0x0] =	vst.idx.msk $0xffff, v4  }
0x61: {  	_ =	sdelay $0x3  }
0x62: {  	v3 =	vshll.u32 v3, $0x4;
	[tilespmem:v2+s22+$0x0] =	vst.idx.msk $0xffff, v1;
	s29 =	sadd.s32 $0x10, s29  }
0x63: {  	v2 =	vld [tilespmem:s29+$0xFFFFE800];
	v3 =	vor.u32 v0, v3;
	_ =	sdelay $0x4  }
0x64: {  	[tilespmem:v3+s22+$0x0] =	vst.idx.msk $0xffff, v2  }
0x65: {  	v4 =	vor.u32 $0x1, v3;
	v2 =	vld [tilespmem:s29+$0xFFFFEC00];
	_ =	sdelay $0x4  }
0x66: {  	[tilespmem:v4+s22+$0x0] =	vst.idx.msk $0xffff, v2  }
0x67: {  	v54 =	vor.u32 $0x2, v3;
	v2 =	vld [tilespmem:s29+$0xFFFFF000];
	_ =	sdelay $0x4  }
0x68: {  	[tilespmem:v54+s22+$0x0] =	vst.idx.msk $0xffff, v2  }
0x69: {  	v55 =	vor.u32 $0x3, v3;
	v2 =	vld [tilespmem:s29+$0xFFFFF400];
	_ =	sdelay $0x4  }
0x6a: {  	[tilespmem:v55+s22+$0x0] =	vst.idx.msk $0xffff, v2  }
0x6b: {  	v56 =	vor.u32 $0x4, v3;
	v2 =	vld [tilespmem:s29+$0xFFFFF800];
	_ =	sdelay $0x4  }
0x6c: {  	[tilespmem:v56+s22+$0x0] =	vst.idx.msk $0xffff, v2  }
0x6d: {  	v57 =	vor.u32 $0x5, v3;
	v2 =	vld [tilespmem:s29+$0xFFFFFC00];
	_ =	sdelay $0x4  }
0x6e: {  	[tilespmem:v57+s22+$0x0] =	vst.idx.msk $0xffff, v2  }
0x6f: {  	v58 =	vor.u32 $0x6, v3;
	v2 =	vld [tilespmem:s29+$0x0];
	_ =	sdelay $0x4  }
0x70: {  	[tilespmem:v58+s22+$0x0] =	vst.idx.msk $0xffff, v2  }
0x71: {  	v59 =	vor.u32 $0x7, v3;
	v2 =	vld [tilespmem:s29+$0x400];
	_ =	sdelay $0x4  }
0x72: {  	[tilespmem:v59+s22+$0x0] =	vst.idx.msk $0xffff, v2  }
0x73: {  	v60 =	vor.u32 $0x8, v3;
	v2 =	vld [tilespmem:s29+$0x800];
	_ =	sdelay $0x4  }
0x74: {  	[tilespmem:v60+s22+$0x0] =	vst.idx.msk $0xffff, v2  }
0x75: {  	v61 =	vor.u32 $0x9, v3;
	v2 =	vld [tilespmem:s29+$0xC00];
	_ =	sdelay $0x4  }
0x76: {  	[tilespmem:v61+s22+$0x0] =	vst.idx.msk $0xffff, v2  }
0x77: {  	v62 =	vor.u32 $0xA, v3;
	v2 =	vld [tilespmem:s29+$0x1000];
	_ =	sdelay $0x4  }
0x78: {  	[tilespmem:v62+s22+$0x0] =	vst.idx.msk $0xffff, v2  }
0x79: {  	v63 =	vor.u32 $0xB, v3;
	v2 =	vld [tilespmem:s29+$0x1400]  }
0x7a: {  	s31 =	sshll.u32 s28, $0xB;
	s30 =	sshll.u32 s28, $0x7;
	s28 =	sadd.s32 $0x1, s28;
	v3 =	vor.u32 $0xC, v3  }
0x7b: {  	p0 =	sne.s32 s28, $0x8  }
.Ltmp1:
0x7c: {  	_ = 	snop;
	(pc) =	sbr.rel @p0 .LBB2_2-.Ltmp1, $4  }
0x7d: {  	_ = 	snop  }
0x7e: {  	s26 =	sadd.s32 $0x80, s26;
	s30 =	sand.u32 $0x3FFFFF80, s30;
	s29 =	sand.u32 $0x3FFFF800, s31;
	[tilespmem:v63+s22+$0x0] =	vst.idx.msk $0xffff, v2  }
0x7f: {  	s15 =	sadd.s32 $0x80, s15;
	s30 =	sadd.s32 $0x16000, s30;
	s29 =	sadd.s32 $0x6000, s29;
	[tilespmem:v3+s22+$0x0] =	vst.idx.msk $0xffff, v1  }
0x80: {  	[spmem:s2] =	stream.indirect.scatter.add.f32 [tilespmem:s29], [sflag:$0x1], $0x10, s30, s23, $0xb8;
	[tilespmem:$0x1B200] =	vst v63  }
0x81: {  	_ =	swait.ge [sflag:s20], $0x3000  }
0x82: {  	s15 =	simm.s32 $0x400;
	[sflag:s20] =	ssyncset.done $0x0  }
0x83: {  	s26 =	simm.s32 $0x0;
	s30 =	simm.s32 $0x4800;
	[sflag:s20] =	ssyncadd.s32 $0xFFFFD000  }
0x84: {  	[tilespmem:s26], [sflag:$0x2] =	stream.strided.gather [hbm4b:s9+s15], $0x3000, s14, s15, $0x38;
	[tilespmem:$0x1B200] =	vst v63  }
.LBB2_6:
0x85: {  	s28 =	sadd.s32 $0x0, s15  }
0x86: {  	v2 =	vmov s28  }
0x87: {  	v2 =	vshll.u32 v2, $0x4  }
0x88: {  	v3 =	vld [tilespmem:s30+$0xFFFFE800];
	v2 =	vor.u32 v0, v2;
	_ =	sdelay $0x4  }
0x89: {  	[tilespmem:v2+s22+$0x0] =	vst.idx.msk $0xffff, v3  }
0x8a: {  	v4 =	vor.u32 $0x1, v2;
	v3 =	vld [tilespmem:s30+$0xFFFFEC00];
	_ =	sdelay $0x4  }
0x8b: {  	[tilespmem:v4+s22+$0x0] =	vst.idx.msk $0xffff, v3  }
0x8c: {  	v4 =	vor.u32 $0x2, v2;
	v3 =	vld [tilespmem:s30+$0xFFFFF000];
	_ =	sdelay $0x4  }
0x8d: {  	[tilespmem:v4+s22+$0x0] =	vst.idx.msk $0xffff, v3  }
0x8e: {  	v4 =	vor.u32 $0x3, v2;
	v3 =	vld [tilespmem:s30+$0xFFFFF400];
	_ =	sdelay $0x4  }
0x8f: {  	[tilespmem:v4+s22+$0x0] =	vst.idx.msk $0xffff, v3  }
0x90: {  	v4 =	vor.u32 $0x4, v2;
	v3 =	vld [tilespmem:s30+$0xFFFFF800];
	_ =	sdelay $0x4  }
0x91: {  	[tilespmem:v4+s22+$0x0] =	vst.idx.msk $0xffff, v3  }
0x92: {  	v4 =	vor.u32 $0x5, v2;
	v3 =	vld [tilespmem:s30+$0xFFFFFC00];
	_ =	sdelay $0x4  }
0x93: {  	[tilespmem:v4+s22+$0x0] =	vst.idx.msk $0xffff, v3  }
0x94: {  	v4 =	vor.u32 $0x6, v2;
	v3 =	vld [tilespmem:s30+$0x0];
	_ =	sdelay $0x4  }
0x95: {  	[tilespmem:v4+s22+$0x0] =	vst.idx.msk $0xffff, v3  }
0x96: {  	v4 =	vor.u32 $0x7, v2;
	v3 =	vld [tilespmem:s30+$0x400];
	_ =	sdelay $0x4  }
0x97: {  	[tilespmem:v4+s22+$0x0] =	vst.idx.msk $0xffff, v3  }
0x98: {  	v4 =	vor.u32 $0x8, v2;
	v3 =	vld [tilespmem:s30+$0x800];
	_ =	sdelay $0x4  }
0x99: {  	[tilespmem:v4+s22+$0x0] =	vst.idx.msk $0xffff, v3  }
0x9a: {  	v4 =	vor.u32 $0x9, v2;
	v3 =	vld [tilespmem:s30+$0xC00];
	_ =	sdelay $0x4  }
0x9b: {  	[tilespmem:v4+s22+$0x0] =	vst.idx.msk $0xffff, v3  }
0x9c: {  	v4 =	vor.u32 $0xA, v2;
	v3 =	vld [tilespmem:s30+$0x1000];
	_ =	sdelay $0x4  }
0x9d: {  	[tilespmem:v4+s22+$0x0] =	vst.idx.msk $0xffff, v3  }
0x9e: {  	v5 =	vor.u32 $0xB, v2;
	v4 =	vld [tilespmem:s30+$0x1400]  }
0x9f: {  	v2 =	vor.u32 $0xC, v2;
	_ =	sdelay $0x2  }
0xa0: {  	s28 =	sadd.s32 $0x10, s15  }
0xa1: {  	s29 =	sor.u32 $0x8, s26;
	s31 =	simm.s32 $0x20;
	v3 =	vmov s28;
	s28 =	smov.u32 s30;
	[tilespmem:v5+s22+$0x0] =	vst.idx.msk $0xffff, v4  }
.LBB2_7:
0xa2: {  	p0 =	sne.s32 s31, $0x70;
	v3 =	vshll.u32 v3, $0x4;
	[tilespmem:v2+s22+$0x0] =	vst.idx.msk $0xffff, v1;
	s28 =	sadd.s32 $0x10, s28  }
0xa3: {  	v2 =	vld [tilespmem:s28+$0xFFFFE800];
	v3 =	vor.u32 v0, v3;
	_ =	sdelay $0x4  }
0xa4: {  	[tilespmem:v3+s22+$0x0] =	vst.idx.msk $0xffff, v2  }
0xa5: {  	v4 =	vor.u32 $0x1, v3;
	v2 =	vld [tilespmem:s28+$0xFFFFEC00];
	_ =	sdelay $0x4  }
0xa6: {  	[tilespmem:v4+s22+$0x0] =	vst.idx.msk $0xffff, v2  }
0xa7: {  	v4 =	vor.u32 $0x2, v3;
	v2 =	vld [tilespmem:s28+$0xFFFFF000];
	_ =	sdelay $0x4  }
0xa8: {  	[tilespmem:v4+s22+$0x0] =	vst.idx.msk $0xffff, v2  }
0xa9: {  	v4 =	vor.u32 $0x3, v3;
	v2 =	vld [tilespmem:s28+$0xFFFFF400];
	_ =	sdelay $0x4  }
0xaa: {  	[tilespmem:v4+s22+$0x0] =	vst.idx.msk $0xffff, v2  }
0xab: {  	v4 =	vor.u32 $0x4, v3;
	v2 =	vld [tilespmem:s28+$0xFFFFF800];
	_ =	sdelay $0x4  }
0xac: {  	[tilespmem:v4+s22+$0x0] =	vst.idx.msk $0xffff, v2  }
0xad: {  	v4 =	vor.u32 $0x5, v3;
	v2 =	vld [tilespmem:s28+$0xFFFFFC00];
	_ =	sdelay $0x4  }
0xae: {  	[tilespmem:v4+s22+$0x0] =	vst.idx.msk $0xffff, v2  }
0xaf: {  	v4 =	vor.u32 $0x6, v3;
	v2 =	vld [tilespmem:s28+$0x0];
	_ =	sdelay $0x4  }
0xb0: {  	[tilespmem:v4+s22+$0x0] =	vst.idx.msk $0xffff, v2  }
0xb1: {  	v4 =	vor.u32 $0x7, v3;
	v2 =	vld [tilespmem:s28+$0x400];
	_ =	sdelay $0x4  }
0xb2: {  	[tilespmem:v4+s22+$0x0] =	vst.idx.msk $0xffff, v2  }
0xb3: {  	v4 =	vor.u32 $0x8, v3;
	v2 =	vld [tilespmem:s28+$0x800];
	_ =	sdelay $0x4  }
0xb4: {  	[tilespmem:v4+s22+$0x0] =	vst.idx.msk $0xffff, v2  }
0xb5: {  	v4 =	vor.u32 $0x9, v3;
	v2 =	vld [tilespmem:s28+$0xC00];
	_ =	sdelay $0x4  }
0xb6: {  	[tilespmem:v4+s22+$0x0] =	vst.idx.msk $0xffff, v2  }
0xb7: {  	v4 =	vor.u32 $0xA, v3;
	v2 =	vld [tilespmem:s28+$0x1000];
	_ =	sdelay $0x4  }
0xb8: {  	[tilespmem:v4+s22+$0x0] =	vst.idx.msk $0xffff, v2  }
0xb9: {  	v5 =	vor.u32 $0xB, v3;
	v4 =	vld [tilespmem:s28+$0x1400]  }
.Ltmp2:
0xba: {  	v2 =	vor.u32 $0xC, v3;
	(pc) =	sbr.rel @p0 .LBB2_7-.Ltmp2, $3  }
0xbb: {  	_ =	sdelay $0x1  }
0xbc: {  	s0 =	sadd.s32 s31, s15  }
0xbd: {  	s31 =	sadd.s32 $0x10, s31;
	v3 =	vmov s0;
	[tilespmem:v5+s22+$0x0] =	vst.idx.msk $0xffff, v4  }
0xbe: {  	_ =	sdelay $0x3  }
0xbf: {  	v3 =	vshll.u32 v3, $0x4;
	[tilespmem:v2+s22+$0x0] =	vst.idx.msk $0xffff, v1;
	s0 =	sadd.s32 $0x10, s28  }
0xc0: {  	v2 =	vld [tilespmem:s0+$0xFFFFE800];
	v3 =	vor.u32 v0, v3;
	_ =	sdelay $0x4  }
0xc1: {  	[tilespmem:v3+s22+$0x0] =	vst.idx.msk $0xffff, v2  }
0xc2: {  	v4 =	vor.u32 $0x1, v3;
	v2 =	vld [tilespmem:s0+$0xFFFFEC00];
	_ =	sdelay $0x4  }
0xc3: {  	[tilespmem:v4+s22+$0x0] =	vst.idx.msk $0xffff, v2  }
0xc4: {  	v54 =	vor.u32 $0x2, v3;
	v2 =	vld [tilespmem:s0+$0xFFFFF000];
	_ =	sdelay $0x4  }
0xc5: {  	[tilespmem:v54+s22+$0x0] =	vst.idx.msk $0xffff, v2  }
0xc6: {  	v55 =	vor.u32 $0x3, v3;
	v2 =	vld [tilespmem:s0+$0xFFFFF400];
	_ =	sdelay $0x4  }
0xc7: {  	[tilespmem:v55+s22+$0x0] =	vst.idx.msk $0xffff, v2  }
0xc8: {  	v56 =	vor.u32 $0x4, v3;
	v2 =	vld [tilespmem:s0+$0xFFFFF800];
	_ =	sdelay $0x4  }
0xc9: {  	[tilespmem:v56+s22+$0x0] =	vst.idx.msk $0xffff, v2  }
0xca: {  	v57 =	vor.u32 $0x5, v3;
	v2 =	vld [tilespmem:s0+$0xFFFFFC00];
	_ =	sdelay $0x4  }
0xcb: {  	[tilespmem:v57+s22+$0x0] =	vst.idx.msk $0xffff, v2  }
0xcc: {  	v58 =	vor.u32 $0x6, v3;
	v2 =	vld [tilespmem:s0+$0x0];
	_ =	sdelay $0x4  }
0xcd: {  	[tilespmem:v58+s22+$0x0] =	vst.idx.msk $0xffff, v2  }
0xce: {  	v59 =	vor.u32 $0x7, v3;
	v2 =	vld [tilespmem:s0+$0x400];
	_ =	sdelay $0x4  }
0xcf: {  	[tilespmem:v59+s22+$0x0] =	vst.idx.msk $0xffff, v2  }
0xd0: {  	v60 =	vor.u32 $0x8, v3;
	v2 =	vld [tilespmem:s0+$0x800];
	_ =	sdelay $0x4  }
0xd1: {  	[tilespmem:v60+s22+$0x0] =	vst.idx.msk $0xffff, v2  }
0xd2: {  	v61 =	vor.u32 $0x9, v3;
	v2 =	vld [tilespmem:s0+$0xC00];
	_ =	sdelay $0x4  }
0xd3: {  	[tilespmem:v61+s22+$0x0] =	vst.idx.msk $0xffff, v2  }
0xd4: {  	v62 =	vor.u32 $0xA, v3;
	v2 =	vld [tilespmem:s0+$0x1000];
	_ =	sdelay $0x4  }
0xd5: {  	[tilespmem:v62+s22+$0x0] =	vst.idx.msk $0xffff, v2  }
0xd6: {  	v63 =	vor.u32 $0xB, v3;
	v2 =	vld [tilespmem:s0+$0x1400]  }
0xd7: {  	s26 =	sadd.s32 $0x1, s26;
	v3 =	vor.u32 $0xC, v3  }
0xd8: {  	p0 =	sne.s32 s26, $0x8  }
.Ltmp3:
0xd9: {  	_ = 	snop;
	(pc) =	sbr.rel @p0 .LBB2_6-.Ltmp3, $4  }
0xda: {  	s31 =	sshll.u32 s29, $0x7;
	s0 =	sshll.u32 s29, $0xB  }
0xdb: {  	s15 =	sadd.s32 $0x80, s15;
	s28 =	sand.u32 $0x3FFFFF80, s31;
	s0 =	sand.u32 $0x3FFFF800, s0;
	[tilespmem:v63+s22+$0x0] =	vst.idx.msk $0xffff, v2  }
0xdc: {  	s30 =	sadd.s32 $0x80, s30;
	s28 =	sadd.s32 $0x16000, s28;
	s0 =	sadd.s32 $0x6000, s0;
	[tilespmem:v3+s22+$0x0] =	vst.idx.msk $0xffff, v1  }
0xdd: {  	[spmem:s2] =	stream.indirect.scatter.add.f32 [tilespmem:s0], [sflag:$0x1], $0x10, s28, s23, $0xb8;
	[tilespmem:$0x1B200] =	vst v63  }
0xde: {  	_ =	swait.ge [sflag:s20], $0x3000  }
0xdf: {  	s15 =	simm.s32 $0x0;
	[sflag:s20] =	ssyncset.done $0x0  }
0xe0: {  	s26 =	simm.s32 $0x800;
	s28 =	simm.s32 $0x1800;
	[sflag:s20] =	ssyncadd.s32 $0xFFFFD000  }
0xe1: {  	[tilespmem:s21], [sflag:$0x2] =	stream.strided.gather [hbm4b:s10+s13], $0x3000, s14, s13, $0x38;
	[tilespmem:$0x1B200] =	vst v63  }
.LBB2_10:
0xe2: {  	s0 =	sadd.s32 $0x0, s26  }
0xe3: {  	v2 =	vmov s0  }
0xe4: {  	v2 =	vshll.u32 v2, $0x4  }
0xe5: {  	v3 =	vld [tilespmem:s28+$0xFFFFE800];
	v2 =	vor.u32 v0, v2;
	_ =	sdelay $0x4  }
0xe6: {  	[tilespmem:v2+s22+$0x0] =	vst.idx.msk $0xffff, v3  }
0xe7: {  	v4 =	vor.u32 $0x1, v2;
	v3 =	vld [tilespmem:s28+$0xFFFFEC00];
	_ =	sdelay $0x4  }
0xe8: {  	[tilespmem:v4+s22+$0x0] =	vst.idx.msk $0xffff, v3  }
0xe9: {  	v4 =	vor.u32 $0x2, v2;
	v3 =	vld [tilespmem:s28+$0xFFFFF000];
	_ =	sdelay $0x4  }
0xea: {  	[tilespmem:v4+s22+$0x0] =	vst.idx.msk $0xffff, v3  }
0xeb: {  	v4 =	vor.u32 $0x3, v2;
	v3 =	vld [tilespmem:s28+$0xFFFFF400];
	_ =	sdelay $0x4  }
0xec: {  	[tilespmem:v4+s22+$0x0] =	vst.idx.msk $0xffff, v3  }
0xed: {  	v4 =	vor.u32 $0x4, v2;
	v3 =	vld [tilespmem:s28+$0xFFFFF800];
	_ =	sdelay $0x4  }
0xee: {  	[tilespmem:v4+s22+$0x0] =	vst.idx.msk $0xffff, v3  }
0xef: {  	v4 =	vor.u32 $0x5, v2;
	v3 =	vld [tilespmem:s28+$0xFFFFFC00];
	_ =	sdelay $0x4  }
0xf0: {  	[tilespmem:v4+s22+$0x0] =	vst.idx.msk $0xffff, v3  }
0xf1: {  	v4 =	vor.u32 $0x6, v2;
	v3 =	vld [tilespmem:s28+$0x0];
	_ =	sdelay $0x4  }
0xf2: {  	[tilespmem:v4+s22+$0x0] =	vst.idx.msk $0xffff, v3  }
0xf3: {  	v4 =	vor.u32 $0x7, v2;
	v3 =	vld [tilespmem:s28+$0x400];
	_ =	sdelay $0x4  }
0xf4: {  	[tilespmem:v4+s22+$0x0] =	vst.idx.msk $0xffff, v3  }
0xf5: {  	v4 =	vor.u32 $0x8, v2;
	v3 =	vld [tilespmem:s28+$0x800];
	_ =	sdelay $0x4  }
0xf6: {  	[tilespmem:v4+s22+$0x0] =	vst.idx.msk $0xffff, v3  }
0xf7: {  	v4 =	vor.u32 $0x9, v2;
	v3 =	vld [tilespmem:s28+$0xC00];
	_ =	sdelay $0x4  }
0xf8: {  	[tilespmem:v4+s22+$0x0] =	vst.idx.msk $0xffff, v3  }
0xf9: {  	v4 =	vor.u32 $0xA, v2;
	v3 =	vld [tilespmem:s28+$0x1000];
	_ =	sdelay $0x4  }
0xfa: {  	[tilespmem:v4+s22+$0x0] =	vst.idx.msk $0xffff, v3  }
0xfb: {  	v5 =	vor.u32 $0xB, v2;
	v4 =	vld [tilespmem:s28+$0x1400]  }
0xfc: {  	v2 =	vor.u32 $0xC, v2;
	_ =	sdelay $0x2  }
0xfd: {  	s0 =	sadd.s32 $0x10, s26  }
0xfe: {  	s29 =	sor.u32 $0x10, s15;
	s31 =	simm.s32 $0x20;
	s30 =	smov.u32 s28;
	v3 =	vmov s0;
	[tilespmem:v5+s22+$0x0] =	vst.idx.msk $0xffff, v4  }
.LBB2_11:
0xff: {  	p0 =	sne.s32 s31, $0x70;
	v3 =	vshll.u32 v3, $0x4;
	[tilespmem:v2+s22+$0x0] =	vst.idx.msk $0xffff, v1;
	s30 =	sadd.s32 $0x10, s30  }
0x100: {  	v2 =	vld [tilespmem:s30+$0xFFFFE800];
	v3 =	vor.u32 v0, v3;
	_ =	sdelay $0x4  }
0x101: {  	[tilespmem:v3+s22+$0x0] =	vst.idx.msk $0xffff, v2  }
0x102: {  	v4 =	vor.u32 $0x1, v3;
	v2 =	vld [tilespmem:s30+$0xFFFFEC00];
	_ =	sdelay $0x4  }
0x103: {  	[tilespmem:v4+s22+$0x0] =	vst.idx.msk $0xffff, v2  }
0x104: {  	v4 =	vor.u32 $0x2, v3;
	v2 =	vld [tilespmem:s30+$0xFFFFF000];
	_ =	sdelay $0x4  }
0x105: {  	[tilespmem:v4+s22+$0x0] =	vst.idx.msk $0xffff, v2  }
0x106: {  	v4 =	vor.u32 $0x3, v3;
	v2 =	vld [tilespmem:s30+$0xFFFFF400];
	_ =	sdelay $0x4  }
0x107: {  	[tilespmem:v4+s22+$0x0] =	vst.idx.msk $0xffff, v2  }
0x108: {  	v4 =	vor.u32 $0x4, v3;
	v2 =	vld [tilespmem:s30+$0xFFFFF800];
	_ =	sdelay $0x4  }
0x109: {  	[tilespmem:v4+s22+$0x0] =	vst.idx.msk $0xffff, v2  }
0x10a: {  	v4 =	vor.u32 $0x5, v3;
	v2 =	vld [tilespmem:s30+$0xFFFFFC00];
	_ =	sdelay $0x4  }
0x10b: {  	[tilespmem:v4+s22+$0x0] =	vst.idx.msk $0xffff, v2  }
0x10c: {  	v4 =	vor.u32 $0x6, v3;
	v2 =	vld [tilespmem:s30+$0x0];
	_ =	sdelay $0x4  }
0x10d: {  	[tilespmem:v4+s22+$0x0] =	vst.idx.msk $0xffff, v2  }
0x10e: {  	v4 =	vor.u32 $0x7, v3;
	v2 =	vld [tilespmem:s30+$0x400];
	_ =	sdelay $0x4  }
0x10f: {  	[tilespmem:v4+s22+$0x0] =	vst.idx.msk $0xffff, v2  }
0x110: {  	v4 =	vor.u32 $0x8, v3;
	v2 =	vld [tilespmem:s30+$0x800];
	_ =	sdelay $0x4  }
0x111: {  	[tilespmem:v4+s22+$0x0] =	vst.idx.msk $0xffff, v2  }
0x112: {  	v4 =	vor.u32 $0x9, v3;
	v2 =	vld [tilespmem:s30+$0xC00];
	_ =	sdelay $0x4  }
0x113: {  	[tilespmem:v4+s22+$0x0] =	vst.idx.msk $0xffff, v2  }
0x114: {  	v4 =	vor.u32 $0xA, v3;
	v2 =	vld [tilespmem:s30+$0x1000];
	_ =	sdelay $0x4  }
0x115: {  	[tilespmem:v4+s22+$0x0] =	vst.idx.msk $0xffff, v2  }
0x116: {  	v5 =	vor.u32 $0xB, v3;
	v4 =	vld [tilespmem:s30+$0x1400]  }
.Ltmp4:
0x117: {  	v2 =	vor.u32 $0xC, v3;
	(pc) =	sbr.rel @p0 .LBB2_11-.Ltmp4, $3  }
0x118: {  	_ =	sdelay $0x1  }
0x119: {  	s0 =	sadd.s32 s31, s26  }
0x11a: {  	s31 =	sadd.s32 $0x10, s31;
	v3 =	vmov s0;
	[tilespmem:v5+s22+$0x0] =	vst.idx.msk $0xffff, v4  }
0x11b: {  	_ =	sdelay $0x3  }
0x11c: {  	v3 =	vshll.u32 v3, $0x4;
	[tilespmem:v2+s22+$0x0] =	vst.idx.msk $0xffff, v1;
	s0 =	sadd.s32 $0x10, s30  }
0x11d: {  	v2 =	vld [tilespmem:s0+$0xFFFFE800];
	v3 =	vor.u32 v0, v3;
	_ =	sdelay $0x4  }
0x11e: {  	[tilespmem:v3+s22+$0x0] =	vst.idx.msk $0xffff, v2  }
0x11f: {  	v4 =	vor.u32 $0x1, v3;
	v2 =	vld [tilespmem:s0+$0xFFFFEC00];
	_ =	sdelay $0x4  }
0x120: {  	[tilespmem:v4+s22+$0x0] =	vst.idx.msk $0xffff, v2  }
0x121: {  	v54 =	vor.u32 $0x2, v3;
	v2 =	vld [tilespmem:s0+$0xFFFFF000];
	_ =	sdelay $0x4  }
0x122: {  	[tilespmem:v54+s22+$0x0] =	vst.idx.msk $0xffff, v2  }
0x123: {  	v55 =	vor.u32 $0x3, v3;
	v2 =	vld [tilespmem:s0+$0xFFFFF400];
	_ =	sdelay $0x4  }
0x124: {  	[tilespmem:v55+s22+$0x0] =	vst.idx.msk $0xffff, v2  }
0x125: {  	v56 =	vor.u32 $0x4, v3;
	v2 =	vld [tilespmem:s0+$0xFFFFF800];
	_ =	sdelay $0x4  }
0x126: {  	[tilespmem:v56+s22+$0x0] =	vst.idx.msk $0xffff, v2  }
0x127: {  	v57 =	vor.u32 $0x5, v3;
	v2 =	vld [tilespmem:s0+$0xFFFFFC00];
	_ =	sdelay $0x4  }
0x128: {  	[tilespmem:v57+s22+$0x0] =	vst.idx.msk $0xffff, v2  }
0x129: {  	v58 =	vor.u32 $0x6, v3;
	v2 =	vld [tilespmem:s0+$0x0];
	_ =	sdelay $0x4  }
0x12a: {  	[tilespmem:v58+s22+$0x0] =	vst.idx.msk $0xffff, v2  }
0x12b: {  	v59 =	vor.u32 $0x7, v3;
	v2 =	vld [tilespmem:s0+$0x400];
	_ =	sdelay $0x4  }
0x12c: {  	[tilespmem:v59+s22+$0x0] =	vst.idx.msk $0xffff, v2  }
0x12d: {  	v60 =	vor.u32 $0x8, v3;
	v2 =	vld [tilespmem:s0+$0x800];
	_ =	sdelay $0x4  }
0x12e: {  	[tilespmem:v60+s22+$0x0] =	vst.idx.msk $0xffff, v2  }
0x12f: {  	v61 =	vor.u32 $0x9, v3;
	v2 =	vld [tilespmem:s0+$0xC00];
	_ =	sdelay $0x4  }
0x130: {  	[tilespmem:v61+s22+$0x0] =	vst.idx.msk $0xffff, v2  }
0x131: {  	v62 =	vor.u32 $0xA, v3;
	v2 =	vld [tilespmem:s0+$0x1000];
	_ =	sdelay $0x4  }
0x132: {  	[tilespmem:v62+s22+$0x0] =	vst.idx.msk $0xffff, v2  }
0x133: {  	v63 =	vor.u32 $0xB, v3;
	v2 =	vld [tilespmem:s0+$0x1400]  }
0x134: {  	s15 =	sadd.s32 $0x1, s15;
	v3 =	vor.u32 $0xC, v3  }
0x135: {  	p0 =	sne.s32 s15, $0x8  }
.Ltmp5:
0x136: {  	_ = 	snop;
	(pc) =	sbr.rel @p0 .LBB2_10-.Ltmp5, $4  }
0x137: {  	s30 =	sshll.u32 s29, $0xB;
	s31 =	sshll.u32 s29, $0x7  }
0x138: {  	s26 =	sadd.s32 $0x80, s26;
	s29 =	sand.u32 $0x3FFFFF80, s31;
	s0 =	sand.u32 $0x3FFFF800, s30;
	[tilespmem:v63+s22+$0x0] =	vst.idx.msk $0xffff, v2  }
0x139: {  	s28 =	sadd.s32 $0x80, s28;
	s29 =	sadd.s32 $0x16000, s29;
	s0 =	sadd.s32 $0x6000, s0;
	[tilespmem:v3+s22+$0x0] =	vst.idx.msk $0xffff, v1  }
0x13a: {  	[spmem:s2] =	stream.indirect.scatter.add.f32 [tilespmem:s0], [sflag:$0x1], $0x10, s29, s23, $0xb8;
	[tilespmem:$0x1B200] =	vst v63  }
0x13b: {  	_ =	swait.ge [sflag:s20], $0x3000  }
0x13c: {  	s15 =	simm.s32 $0x0;
	[sflag:s20] =	ssyncset.done $0x0  }
0x13d: {  	s26 =	simm.s32 $0xC00;
	s28 =	simm.s32 $0x4800;
	[sflag:s20] =	ssyncadd.s32 $0xFFFFD000  }
.LBB2_14:
0x13e: {  	s0 =	sadd.s32 $0x0, s26  }
0x13f: {  	v2 =	vmov s0  }
0x140: {  	v2 =	vshll.u32 v2, $0x4  }
0x141: {  	v3 =	vld [tilespmem:s28+$0xFFFFE800];
	v2 =	vor.u32 v0, v2;
	_ =	sdelay $0x4  }
0x142: {  	[tilespmem:v2+s22+$0x0] =	vst.idx.msk $0xffff, v3  }
0x143: {  	v4 =	vor.u32 $0x1, v2;
	v3 =	vld [tilespmem:s28+$0xFFFFEC00];
	_ =	sdelay $0x4  }
0x144: {  	[tilespmem:v4+s22+$0x0] =	vst.idx.msk $0xffff, v3  }
0x145: {  	v4 =	vor.u32 $0x2, v2;
	v3 =	vld [tilespmem:s28+$0xFFFFF000];
	_ =	sdelay $0x4  }
0x146: {  	[tilespmem:v4+s22+$0x0] =	vst.idx.msk $0xffff, v3  }
0x147: {  	v4 =	vor.u32 $0x3, v2;
	v3 =	vld [tilespmem:s28+$0xFFFFF400];
	_ =	sdelay $0x4  }
0x148: {  	[tilespmem:v4+s22+$0x0] =	vst.idx.msk $0xffff, v3  }
0x149: {  	v4 =	vor.u32 $0x4, v2;
	v3 =	vld [tilespmem:s28+$0xFFFFF800];
	_ =	sdelay $0x4  }
0x14a: {  	[tilespmem:v4+s22+$0x0] =	vst.idx.msk $0xffff, v3  }
0x14b: {  	v4 =	vor.u32 $0x5, v2;
	v3 =	vld [tilespmem:s28+$0xFFFFFC00];
	_ =	sdelay $0x4  }
0x14c: {  	[tilespmem:v4+s22+$0x0] =	vst.idx.msk $0xffff, v3  }
0x14d: {  	v4 =	vor.u32 $0x6, v2;
	v3 =	vld [tilespmem:s28+$0x0];
	_ =	sdelay $0x4  }
0x14e: {  	[tilespmem:v4+s22+$0x0] =	vst.idx.msk $0xffff, v3  }
0x14f: {  	v4 =	vor.u32 $0x7, v2;
	v3 =	vld [tilespmem:s28+$0x400];
	_ =	sdelay $0x4  }
0x150: {  	[tilespmem:v4+s22+$0x0] =	vst.idx.msk $0xffff, v3  }
0x151: {  	v4 =	vor.u32 $0x8, v2;
	v3 =	vld [tilespmem:s28+$0x800];
	_ =	sdelay $0x4  }
0x152: {  	[tilespmem:v4+s22+$0x0] =	vst.idx.msk $0xffff, v3  }
0x153: {  	v4 =	vor.u32 $0x9, v2;
	v3 =	vld [tilespmem:s28+$0xC00];
	_ =	sdelay $0x4  }
0x154: {  	[tilespmem:v4+s22+$0x0] =	vst.idx.msk $0xffff, v3  }
0x155: {  	v4 =	vor.u32 $0xA, v2;
	v3 =	vld [tilespmem:s28+$0x1000];
	_ =	sdelay $0x4  }
0x156: {  	[tilespmem:v4+s22+$0x0] =	vst.idx.msk $0xffff, v3  }
0x157: {  	v5 =	vor.u32 $0xB, v2;
	v4 =	vld [tilespmem:s28+$0x1400]  }
0x158: {  	v2 =	vor.u32 $0xC, v2;
	_ =	sdelay $0x2  }
0x159: {  	s0 =	sadd.s32 $0x10, s26  }
0x15a: {  	s29 =	sor.u32 $0x18, s15;
	s31 =	simm.s32 $0x20;
	s30 =	smov.u32 s28;
	v3 =	vmov s0;
	[tilespmem:v5+s22+$0x0] =	vst.idx.msk $0xffff, v4  }
.LBB2_15:
0x15b: {  	p0 =	sne.s32 s31, $0x70;
	v3 =	vshll.u32 v3, $0x4;
	[tilespmem:v2+s22+$0x0] =	vst.idx.msk $0xffff, v1;
	s30 =	sadd.s32 $0x10, s30  }
0x15c: {  	v2 =	vld [tilespmem:s30+$0xFFFFE800];
	v3 =	vor.u32 v0, v3;
	_ =	sdelay $0x4  }
0x15d: {  	[tilespmem:v3+s22+$0x0] =	vst.idx.msk $0xffff, v2  }
0x15e: {  	v4 =	vor.u32 $0x1, v3;
	v2 =	vld [tilespmem:s30+$0xFFFFEC00];
	_ =	sdelay $0x4  }
0x15f: {  	[tilespmem:v4+s22+$0x0] =	vst.idx.msk $0xffff, v2  }
0x160: {  	v4 =	vor.u32 $0x2, v3;
	v2 =	vld [tilespmem:s30+$0xFFFFF000];
	_ =	sdelay $0x4  }
0x161: {  	[tilespmem:v4+s22+$0x0] =	vst.idx.msk $0xffff, v2  }
0x162: {  	v4 =	vor.u32 $0x3, v3;
	v2 =	vld [tilespmem:s30+$0xFFFFF400];
	_ =	sdelay $0x4  }
0x163: {  	[tilespmem:v4+s22+$0x0] =	vst.idx.msk $0xffff, v2  }
0x164: {  	v4 =	vor.u32 $0x4, v3;
	v2 =	vld [tilespmem:s30+$0xFFFFF800];
	_ =	sdelay $0x4  }
0x165: {  	[tilespmem:v4+s22+$0x0] =	vst.idx.msk $0xffff, v2  }
0x166: {  	v4 =	vor.u32 $0x5, v3;
	v2 =	vld [tilespmem:s30+$0xFFFFFC00];
	_ =	sdelay $0x4  }
0x167: {  	[tilespmem:v4+s22+$0x0] =	vst.idx.msk $0xffff, v2  }
0x168: {  	v4 =	vor.u32 $0x6, v3;
	v2 =	vld [tilespmem:s30+$0x0];
	_ =	sdelay $0x4  }
0x169: {  	[tilespmem:v4+s22+$0x0] =	vst.idx.msk $0xffff, v2  }
0x16a: {  	v4 =	vor.u32 $0x7, v3;
	v2 =	vld [tilespmem:s30+$0x400];
	_ =	sdelay $0x4  }
0x16b: {  	[tilespmem:v4+s22+$0x0] =	vst.idx.msk $0xffff, v2  }
0x16c: {  	v4 =	vor.u32 $0x8, v3;
	v2 =	vld [tilespmem:s30+$0x800];
	_ =	sdelay $0x4  }
0x16d: {  	[tilespmem:v4+s22+$0x0] =	vst.idx.msk $0xffff, v2  }
0x16e: {  	v4 =	vor.u32 $0x9, v3;
	v2 =	vld [tilespmem:s30+$0xC00];
	_ =	sdelay $0x4  }
0x16f: {  	[tilespmem:v4+s22+$0x0] =	vst.idx.msk $0xffff, v2  }
0x170: {  	v4 =	vor.u32 $0xA, v3;
	v2 =	vld [tilespmem:s30+$0x1000];
	_ =	sdelay $0x4  }
0x171: {  	[tilespmem:v4+s22+$0x0] =	vst.idx.msk $0xffff, v2  }
0x172: {  	v5 =	vor.u32 $0xB, v3;
	v4 =	vld [tilespmem:s30+$0x1400]  }
.Ltmp6:
0x173: {  	v2 =	vor.u32 $0xC, v3;
	(pc) =	sbr.rel @p0 .LBB2_15-.Ltmp6, $3  }
0x174: {  	_ =	sdelay $0x1  }
0x175: {  	s0 =	sadd.s32 s31, s26  }
0x176: {  	s31 =	sadd.s32 $0x10, s31;
	v3 =	vmov s0;
	[tilespmem:v5+s22+$0x0] =	vst.idx.msk $0xffff, v4  }
0x177: {  	_ =	sdelay $0x3  }
0x178: {  	v3 =	vshll.u32 v3, $0x4;
	[tilespmem:v2+s22+$0x0] =	vst.idx.msk $0xffff, v1;
	s0 =	sadd.s32 $0x10, s30  }
0x179: {  	v2 =	vld [tilespmem:s0+$0xFFFFE800];
	v3 =	vor.u32 v0, v3;
	_ =	sdelay $0x4  }
0x17a: {  	[tilespmem:v3+s22+$0x0] =	vst.idx.msk $0xffff, v2  }
0x17b: {  	v4 =	vor.u32 $0x1, v3;
	v2 =	vld [tilespmem:s0+$0xFFFFEC00];
	_ =	sdelay $0x4  }
0x17c: {  	[tilespmem:v4+s22+$0x0] =	vst.idx.msk $0xffff, v2  }
0x17d: {  	v54 =	vor.u32 $0x2, v3;
	v2 =	vld [tilespmem:s0+$0xFFFFF000];
	_ =	sdelay $0x4  }
0x17e: {  	[tilespmem:v54+s22+$0x0] =	vst.idx.msk $0xffff, v2  }
0x17f: {  	v55 =	vor.u32 $0x3, v3;
	v2 =	vld [tilespmem:s0+$0xFFFFF400];
	_ =	sdelay $0x4  }
0x180: {  	[tilespmem:v55+s22+$0x0] =	vst.idx.msk $0xffff, v2  }
0x181: {  	v56 =	vor.u32 $0x4, v3;
	v2 =	vld [tilespmem:s0+$0xFFFFF800];
	_ =	sdelay $0x4  }
0x182: {  	[tilespmem:v56+s22+$0x0] =	vst.idx.msk $0xffff, v2  }
0x183: {  	v57 =	vor.u32 $0x5, v3;
	v2 =	vld [tilespmem:s0+$0xFFFFFC00];
	_ =	sdelay $0x4  }
0x184: {  	[tilespmem:v57+s22+$0x0] =	vst.idx.msk $0xffff, v2  }
0x185: {  	v58 =	vor.u32 $0x6, v3;
	v2 =	vld [tilespmem:s0+$0x0];
	_ =	sdelay $0x4  }
0x186: {  	[tilespmem:v58+s22+$0x0] =	vst.idx.msk $0xffff, v2  }
0x187: {  	v59 =	vor.u32 $0x7, v3;
	v2 =	vld [tilespmem:s0+$0x400];
	_ =	sdelay $0x4  }
0x188: {  	[tilespmem:v59+s22+$0x0] =	vst.idx.msk $0xffff, v2  }
0x189: {  	v60 =	vor.u32 $0x8, v3;
	v2 =	vld [tilespmem:s0+$0x800];
	_ =	sdelay $0x4  }
0x18a: {  	[tilespmem:v60+s22+$0x0] =	vst.idx.msk $0xffff, v2  }
0x18b: {  	v61 =	vor.u32 $0x9, v3;
	v2 =	vld [tilespmem:s0+$0xC00];
	_ =	sdelay $0x4  }
0x18c: {  	[tilespmem:v61+s22+$0x0] =	vst.idx.msk $0xffff, v2  }
0x18d: {  	v62 =	vor.u32 $0xA, v3;
	v2 =	vld [tilespmem:s0+$0x1000];
	_ =	sdelay $0x4  }
0x18e: {  	[tilespmem:v62+s22+$0x0] =	vst.idx.msk $0xffff, v2  }
0x18f: {  	v63 =	vor.u32 $0xB, v3;
	v2 =	vld [tilespmem:s0+$0x1400]  }
0x190: {  	s15 =	sadd.s32 $0x1, s15;
	v3 =	vor.u32 $0xC, v3  }
0x191: {  	p0 =	sne.s32 s15, $0x8  }
.Ltmp7:
0x192: {  	_ = 	snop;
	(pc) =	sbr.rel @p0 .LBB2_14-.Ltmp7, $4  }
0x193: {  	s30 =	sshll.u32 s29, $0xB;
	s31 =	sshll.u32 s29, $0x7  }
0x194: {  	s26 =	sadd.s32 $0x80, s26;
	s29 =	sand.u32 $0x3FFFFF80, s31;
	s0 =	sand.u32 $0x3FFFF800, s30;
	[tilespmem:v63+s22+$0x0] =	vst.idx.msk $0xffff, v2  }
0x195: {  	s28 =	sadd.s32 $0x80, s28;
	s29 =	sadd.s32 $0x16000, s29;
	s0 =	sadd.s32 $0x6000, s0;
	[tilespmem:v3+s22+$0x0] =	vst.idx.msk $0xffff, v1  }
0x196: {  	[spmem:s2] =	stream.indirect.scatter.add.f32 [tilespmem:s0], [sflag:$0x1], $0x10, s29, s23, $0xb8;
	[tilespmem:$0x1B200] =	vst v63  }
0x197: {  	_ =	swait.ge [sflag:s24], $0x800  }
0x198: {  	[sflag:s24] =	ssyncset.done $0x0  }
0x199: {  	[sflag:s24] =	ssyncadd.s32 $0xFFFFF800  }
0x19a: {  	_ =	swait.ge [sflag:s24], $0x800  }
0x19b: {  	[sflag:s24] =	ssyncset.done $0x0  }
0x19c: {  	[sflag:s24] =	ssyncadd.s32 $0xFFFFF800  }
0x19d: {  	_ =	swait.ge [sflag:s24], $0x800  }
0x19e: {  	[sflag:s24] =	ssyncset.done $0x0  }
0x19f: {  	[sflag:s24] =	ssyncadd.s32 $0xFFFFF800  }
0x1a0: {  	_ =	swait.ge [sflag:s24], $0x800  }
0x1a1: {  	[sflag:s24] =	ssyncset.done $0x0  }
0x1a2: {  	[sflag:s24] =	ssyncadd.s32 $0xFFFFF800  }
0x1a3: {  	_ =	swait.ge [sflag:s24], $0x800  }
0x1a4: {  	[sflag:s24] =	ssyncset.done $0x0  }
0x1a5: {  	[sflag:s24] =	ssyncadd.s32 $0xFFFFF800  }
0x1a6: {  	_ =	swait.ge [sflag:s24], $0x800  }
0x1a7: {  	[sflag:s24] =	ssyncset.done $0x0  }
0x1a8: {  	[sflag:s24] =	ssyncadd.s32 $0xFFFFF800  }
0x1a9: {  	_ =	swait.ge [sflag:s24], $0x800  }
0x1aa: {  	[sflag:s24] =	ssyncset.done $0x0  }
0x1ab: {  	[sflag:s24] =	ssyncadd.s32 $0xFFFFF800  }
0x1ac: {  	_ =	swait.ge [sflag:s24], $0x800  }
0x1ad: {  	[sflag:s24] =	ssyncset.done $0x0  }
0x1ae: {  	[sflag:s24] =	ssyncadd.s32 $0xFFFFF800  }
0x1af: {  	_ =	swait.ge [sflag:s24], $0x800  }
0x1b0: {  	[sflag:s24] =	ssyncset.done $0x0  }
0x1b1: {  	[sflag:s24] =	ssyncadd.s32 $0xFFFFF800  }
0x1b2: {  	_ =	swait.ge [sflag:s24], $0x800  }
0x1b3: {  	[sflag:s24] =	ssyncset.done $0x0  }
0x1b4: {  	[sflag:s24] =	ssyncadd.s32 $0xFFFFF800  }
0x1b5: {  	_ =	swait.ge [sflag:s24], $0x800  }
0x1b6: {  	[sflag:s24] =	ssyncset.done $0x0  }
0x1b7: {  	[sflag:s24] =	ssyncadd.s32 $0xFFFFF800  }
0x1b8: {  	_ =	swait.ge [sflag:s24], $0x800  }
0x1b9: {  	[sflag:s24] =	ssyncset.done $0x0  }
0x1ba: {  	[sflag:s24] =	ssyncadd.s32 $0xFFFFF800  }
0x1bb: {  	_ =	swait.ge [sflag:s24], $0x800  }
0x1bc: {  	[sflag:s24] =	ssyncset.done $0x0  }
0x1bd: {  	[sflag:s24] =	ssyncadd.s32 $0xFFFFF800  }
0x1be: {  	_ =	swait.ge [sflag:s24], $0x800  }
0x1bf: {  	[sflag:s24] =	ssyncset.done $0x0  }
0x1c0: {  	[sflag:s24] =	ssyncadd.s32 $0xFFFFF800  }
0x1c1: {  	_ =	swait.ge [sflag:s24], $0x800  }
0x1c2: {  	[sflag:s24] =	ssyncset.done $0x0  }
0x1c3: {  	[sflag:s24] =	ssyncadd.s32 $0xFFFFF800  }
0x1c4: {  	_ =	swait.ge [sflag:s24], $0x800  }
0x1c5: {  	[sflag:s24] =	ssyncset.done $0x0  }
0x1c6: {  	[sflag:s24] =	ssyncadd.s32 $0xFFFFF800  }
0x1c7: {  	_ =	swait.ge [sflag:s24], $0x800  }
0x1c8: {  	[sflag:s24] =	ssyncset.done $0x0  }
0x1c9: {  	[sflag:s24] =	ssyncadd.s32 $0xFFFFF800  }
0x1ca: {  	_ =	swait.ge [sflag:s24], $0x800  }
0x1cb: {  	[sflag:s24] =	ssyncset.done $0x0  }
0x1cc: {  	[sflag:s24] =	ssyncadd.s32 $0xFFFFF800  }
0x1cd: {  	_ =	swait.ge [sflag:s24], $0x800  }
0x1ce: {  	[sflag:s24] =	ssyncset.done $0x0  }
0x1cf: {  	[sflag:s24] =	ssyncadd.s32 $0xFFFFF800  }
0x1d0: {  	_ =	swait.ge [sflag:s24], $0x800  }
0x1d1: {  	[sflag:s24] =	ssyncset.done $0x0  }
0x1d2: {  	[sflag:s24] =	ssyncadd.s32 $0xFFFFF800  }
0x1d3: {  	_ =	swait.ge [sflag:s24], $0x800  }
0x1d4: {  	[sflag:s24] =	ssyncset.done $0x0  }
0x1d5: {  	[sflag:s24] =	ssyncadd.s32 $0xFFFFF800  }
0x1d6: {  	_ =	swait.ge [sflag:s24], $0x800  }
0x1d7: {  	[sflag:s24] =	ssyncset.done $0x0  }
0x1d8: {  	[sflag:s24] =	ssyncadd.s32 $0xFFFFF800  }
0x1d9: {  	_ =	swait.ge [sflag:s24], $0x800  }
0x1da: {  	[sflag:s24] =	ssyncset.done $0x0  }
0x1db: {  	[sflag:s24] =	ssyncadd.s32 $0xFFFFF800  }
0x1dc: {  	_ =	swait.ge [sflag:s24], $0x800  }
0x1dd: {  	[sflag:s24] =	ssyncset.done $0x0  }
0x1de: {  	[sflag:s24] =	ssyncadd.s32 $0xFFFFF800  }
0x1df: {  	_ =	swait.ge [sflag:s24], $0x800  }
0x1e0: {  	[sflag:s24] =	ssyncset.done $0x0  }
0x1e1: {  	[sflag:s24] =	ssyncadd.s32 $0xFFFFF800  }
0x1e2: {  	_ =	swait.ge [sflag:s24], $0x800  }
0x1e3: {  	[sflag:s24] =	ssyncset.done $0x0  }
0x1e4: {  	[sflag:s24] =	ssyncadd.s32 $0xFFFFF800  }
0x1e5: {  	_ =	swait.ge [sflag:s24], $0x800  }
0x1e6: {  	[sflag:s24] =	ssyncset.done $0x0  }
0x1e7: {  	[sflag:s24] =	ssyncadd.s32 $0xFFFFF800  }
0x1e8: {  	_ =	swait.ge [sflag:s24], $0x800  }
0x1e9: {  	[sflag:s24] =	ssyncset.done $0x0  }
0x1ea: {  	[sflag:s24] =	ssyncadd.s32 $0xFFFFF800  }
0x1eb: {  	_ =	swait.ge [sflag:s24], $0x800  }
0x1ec: {  	[sflag:s24] =	ssyncset.done $0x0  }
0x1ed: {  	[sflag:s24] =	ssyncadd.s32 $0xFFFFF800  }
0x1ee: {  	_ =	swait.ge [sflag:s24], $0x800  }
0x1ef: {  	[sflag:s24] =	ssyncset.done $0x0  }
0x1f0: {  	[sflag:s24] =	ssyncadd.s32 $0xFFFFF800  }
0x1f1: {  	_ =	swait.ge [sflag:s24], $0x800  }
0x1f2: {  	[sflag:s24] =	ssyncset.done $0x0  }
0x1f3: {  	[sflag:s24] =	ssyncadd.s32 $0xFFFFF800  }
0x1f4: {  	_ =	swait.ge [sflag:s24], $0x800  }
0x1f5: {  	[sflag:s24] =	ssyncset.done $0x0  }
0x1f6: {  	[sflag:s24] =	ssyncadd.s32 $0xFFFFF800  }
0x1f7: {  	[bflag:$0x0] =	sbarrier.arrive $0xFFFF  }
0x1f8: {  	[tilespmem:s25], [sflag:$0x1] =	stream.indirect.gather [spmem:s2], $0x10, s17, s23, $0xb8;
	[tilespmem:$0x1B200] =	vst v63  }
0x1f9: {  	s0 =	simm.s32 $0x17080;
	s15 =	simm.s32 $0x17A00  }
0x1fa: {  	[tilespmem:s15], [sflag:$0x1] =	stream.indirect.gather [spmem:s2], $0x10, s0, s23, $0xb8;
	[tilespmem:$0x1B200] =	vst v63  }
0x1fb: {  	s28 =	simm.s32 $0x17100;
	s29 =	simm.s32 $0x18200  }
0x1fc: {  	[tilespmem:s29], [sflag:$0x1] =	stream.indirect.gather [spmem:s2], $0x10, s28, s23, $0xb8;
	[tilespmem:$0x1B200] =	vst v63  }
0x1fd: {  	s30 =	simm.s32 $0x17180;
	s31 =	simm.s32 $0x18A00  }
0x1fe: {  	[tilespmem:s31], [sflag:$0x1] =	stream.indirect.gather [spmem:s2], $0x10, s30, s23, $0xb8;
	[tilespmem:$0x1B200] =	vst v63  }
0x1ff: {  	_ =	swait.ge [sflag:s24], $0x800  }
0x200: {  	[sflag:s24] =	ssyncset.done $0x0  }
0x201: {  	[sflag:s24] =	ssyncadd.s32 $0xFFFFF800  }
0x202: {  	_ =	swait.ge [sflag:s24], $0x800  }
0x203: {  	[sflag:s24] =	ssyncset.done $0x0  }
0x204: {  	[sflag:s24] =	ssyncadd.s32 $0xFFFFF800  }
0x205: {  	_ =	swait.ge [sflag:s24], $0x800  }
0x206: {  	[sflag:s24] =	ssyncset.done $0x0  }
0x207: {  	[sflag:s24] =	ssyncadd.s32 $0xFFFFF800  }
0x208: {  	s1 =	sadd.s32 $0x1, s1;
	_ =	swait.ge [sflag:s24], $0x800  }
0x209: {  	p0 =	sne.s32 s1, s12;
	[sflag:s24] =	ssyncset.done $0x0  }
.Ltmp8:
0x20a: {  	[sflag:s24] =	ssyncadd.s32 $0xFFFFF800;
	(pc) =	sbr.rel @p0 .LBB2_1-.Ltmp8, $4  }
0x20b: {  	[hbm4b:s11+s3] =	stream.linear.scatter [tilespmem:s25], [sflag:$0x3], $0x2000, $0x38;
	[tilespmem:$0x1B200] =	vst v63  }
0x20c: {  	_ =	swait.ge [sflag:s16], $0x2000  }
0x20d: {  	[sflag:s16] =	ssyncset.done $0x0  }
0x20e: {  	[sflag:s16] =	ssyncadd.s32 $0xFFFFE000  }
0x20f: {  	_ =	sfence.sel $0x180000  }
0x210: {  	[bflag:$0x0] =	sbarrier.arrive $0xFFFF  }
0x211: {  	_ =	strace $0x90000047  }
0x212: {  	s0 =	stileid.u32;
	[bflag:$0x2] =	sbarrier.arrive $0xFFFF  }
0x213: {  	p0 =	sne.s32 s0, $0x0;
	s0 =	rddreg [dreg:$0x6]  }
0x214: {  	s0 =	sadd.s32 @!p0 $0x100000, s0  }
0x215: {  	[sflag:s0] =	ssyncadd.tile.s32 @!p0 $0x1;
	_ =	shalt  }
.Lfunc_end2:
_tile_overlayer_lowered:
.L_overlay_start_2:
0x216: {  	(tag) =	ssettag $0x2  }
0x217: {  	s0 =	rddreg [dreg:$0x0];
	s2 =	stileid.u32  }
0x218: {  	s1 =	rddreg [dreg:$0x1];
	p0 =	sne.s32 s2, $0x0  }
0x219: {  	s3 =	rddreg [dreg:$0x2];
	[bflag:$0x3] =	sbarrier.arrive $0xFFFF;
	s2 =	simm.s32 @!p0 $0x1C03  }
0x21a: {  	[timem:s3], [sflag:s2] =	dma.local @!p0 [hbm:s0], s1  }
0x21b: {  	s0 =	simm.s32 @!p0 $0x3  }
0x21c: {  	_ =	swait.ge @!p0 [sflag:s0], s1  }
0x21d: {  	s1 =	ssub.s32 @!p0 $0x0, s1;
	[sflag:s0] =	ssyncset.done @!p0 $0x0  }
0x21e: {  	[sflag:s0] =	ssyncadd.s32 @!p0 s1  }
0x21f: {  	[bflag:$0x3] =	sbarrier.arrive $0xFFFF  }
0x220: {  	_ =	shalt  }

</sc_bundles>
